<compile_context>
chip_gen: v7x
topology: tpu7x:2x2x1
jax: 0.10.2.dev20260603
libtpu: 0.0.44.dev20260713+nightly
codegen_flags: <defaults>
</compile_context>

<pallas_src>
import dataclasses
import functools

import jax
import jax.numpy as jnp
from jax import lax
from jax.experimental import pallas as pl
from jax.experimental.pallas import tpu as pltpu
from jax.experimental.pallas import tpu_sc as plsc

NUM_CLASSES = 80
K = 300
G = 128
NG = 12500
NGP = 12544
NGH = NGP // 2
QCAP = 512
ECAP = 1024
DELTA = 0.01
MCAP = 512


def _sortable(bits):
    return bits ^ (lax.shift_right_arithmetic(bits, 31) & jnp.int32(0x7FFFFFFF))


def _kth_largest_key(keys, k):
    minint = jnp.int32(-2147483648)
    s = _sortable(keys)

    def step(i, p):
        c = p | lax.shift_left(jnp.int32(1), jnp.int32(31) - i)
        cnt = jnp.sum((s >= (c ^ minint)).astype(jnp.int32))
        return jnp.where(cnt >= k, c, p)

    p = lax.fori_loop(0, 32, step, jnp.int32(0))
    return _sortable(p ^ minint)


def _stage1_body(x_ref, gmax_ref, th_ref):
    x = x_ref[0]
    m = jnp.max(x, axis=1)
    gmax_ref[0, 0, pl.ds(0, NG)] = m
    kbits = _kth_largest_key(lax.bitcast_convert_type(m, jnp.int32), K)
    t = lax.bitcast_convert_type(kbits, jnp.float32) - DELTA
    th_ref[0, 0, :] = jnp.full((16,), t, dtype=jnp.float32)


def _stage1(x3):
    B = x3.shape[0]
    return pl.pallas_call(
        _stage1_body,
        grid=(B,),
        in_specs=[pl.BlockSpec((1, NG, G), lambda b: (b, 0, 0))],
        out_specs=[pl.BlockSpec((1, 1, NGP), lambda b: (b, 0, 0)),
                   pl.BlockSpec((1, 1, 16), lambda b: (b, 0, 0))],
        out_shape=[jax.ShapeDtypeStruct((B, 1, NGP), jnp.float32),
                   jax.ShapeDtypeStruct((B, 1, 16), jnp.float32)],
    )(x3)


def _sc_capture(table, gmaxflat, thresh):
    mesh = plsc.VectorSubcoreMesh(core_axis_name="c", subcore_axis_name="s")
    NLOOP = NGH // 16
    cp = pltpu.CompilerParams()
    if "needs_layout_passes" in pltpu.CompilerParams.__dataclass_fields__:
        cp = dataclasses.replace(cp, needs_layout_passes=False)

    @functools.partial(
        pl.kernel, mesh=mesh, compiler_params=cp,
        out_type=[jax.ShapeDtypeStruct((32, ECAP), jnp.float32),
                  jax.ShapeDtypeStruct((32, ECAP), jnp.int32),
                  jax.ShapeDtypeStruct((32, 16), jnp.int32)],
        scratch_types=[pltpu.VMEM((NGH,), jnp.float32),
                       pltpu.VMEM((16,), jnp.float32),
                       pltpu.VMEM((QCAP,), jnp.int32),
                       pltpu.VMEM((QCAP, G), jnp.float32),
                       pltpu.VMEM((ECAP,), jnp.float32),
                       pltpu.VMEM((ECAP,), jnp.int32),
                       pltpu.VMEM((16,), jnp.int32),
                       pltpu.SemaphoreType.DMA],
    )
    def sck(table_hbm, gmax_hbm, th_hbm, vals_hbm, fids_hbm, cnt_hbm,
            gm_v, th_v, rows_i, rows_v, ev_v, ef_v, cnt_v, sem):
        wid = lax.axis_index("s") * 2 + lax.axis_index("c")
        b = wid // 2
        h = wid % 2
        lanes = lax.iota(jnp.int32, 16)

        pltpu.sync_copy(gmax_hbm.at[pl.ds(b * NGP + h * NGH, NGH)], gm_v)
        pltpu.sync_copy(th_hbm.at[b], th_v)
        thv = th_v[...]

        @pl.loop(0, QCAP, step=16)
        def _(i):
            rows_i[pl.ds(i, 16)] = jnp.zeros((16,), jnp.int32) + b * NG

        def gscan(i, goff):
            v = gm_v[pl.ds(i * 16, 16)]
            gl = h * NGH + i * 16 + lanes
            m = (v >= thv) & (gl < NG)
            plsc.store_compressed(
                rows_i.at[pl.ds(jnp.minimum(goff, QCAP - 16), 16)],
                b * NG + gl, mask=m)
            return goff + jnp.sum(m.astype(jnp.int32))
        gcnt = lax.fori_loop(0, NLOOP, gscan, jnp.int32(0))

        cps = [pltpu.async_copy(
                   table_hbm.at[rows_i.at[pl.ds(kk * 128, 128)]],
                   rows_v.at[pl.ds(kk * 128, 128), :], sem)
               for kk in range(QCAP // 128)]
        for cc in cps:
            cc.wait()

        def escan(j, eoff):
            base = plsc.load_gather(rows_i, [jnp.zeros((16,), jnp.int32) + j])
            fidb = (base - b * NG) * G
            def sub(kk, off):
                v = rows_v[j, pl.ds(kk * 16, 16)]
                m = v >= thv
                o = jnp.minimum(off, ECAP - 16)
                plsc.store_compressed(ev_v.at[pl.ds(o, 16)], v, mask=m)
                plsc.store_compressed(ef_v.at[pl.ds(o, 16)],
                                      fidb + kk * 16 + lanes, mask=m)
                return off + jnp.sum(m.astype(jnp.int32))
            for kk in range(G // 16):
                eoff = sub(kk, eoff)
            return eoff
        ecnt = lax.fori_loop(0, gcnt, escan, jnp.int32(0))

        cnt_v[...] = jnp.where(lanes == 0, gcnt,
                               jnp.where(lanes == 1, ecnt, 0))
        pltpu.sync_copy(ev_v, vals_hbm.at[wid])
        pltpu.sync_copy(ef_v, fids_hbm.at[wid])
        pltpu.sync_copy(cnt_v, cnt_hbm.at[wid])

    return sck(table, gmaxflat, thresh)


def _rank_body(s_ref, f_ref, lab_ref, qi_ref, sc_ref):
    E2 = 2 * ECAP
    scr = s_ref[0, :, :]
    fidr = f_ref[0, :, :].astype(jnp.float32)
    keys = lax.bitcast_convert_type(scr, jnp.int32)

    def step(i, p):
        c = p | lax.shift_left(jnp.int32(1), jnp.int32(30) - i)
        cnt = jnp.sum((keys >= c).astype(jnp.int32))
        return jnp.where(cnt >= K, c, p)
    T = lax.fori_loop(0, 31, step, jnp.int32(0))

    m2 = keys >= T
    m2i = m2.astype(jnp.int32)
    x = m2i
    s = 1
    while s < E2:
        x = x + jnp.concatenate(
            [jnp.zeros((1, s), jnp.int32), x[:, :E2 - s]], axis=1)
        s *= 2
    pos = x - m2i
    mtot = jnp.sum(m2i)

    CH = 256
    slot = lax.broadcasted_iota(jnp.int32, (MCAP, CH), 0)
    csc = jnp.zeros((MCAP, 1), jnp.float32)
    cfid = jnp.zeros((MCAP, 1), jnp.float32)
    for c in range(0, E2, CH):
        oh = jnp.where((pos[:, c:c + CH] == slot) & m2[:, c:c + CH], 1.0, 0.0)
        csc = csc + jnp.sum(oh * scr[:, c:c + CH], axis=1, keepdims=True)
        cfid = cfid + jnp.sum(oh * fidr[:, c:c + CH], axis=1, keepdims=True)
    cvalid = lax.broadcasted_iota(jnp.int32, (MCAP, 1), 0) < mtot
    csc = jnp.where(cvalid, csc, -1.0)

    cscr = lax.transpose(csc, (1, 0))
    cfidr = lax.transpose(cfid, (1, 0))

    gt = cscr > csc
    tie = (cscr == csc) & (cfidr < cfid)
    rank = jnp.sum((gt | tie).astype(jnp.int32), axis=1, keepdims=True)
    rankr = lax.transpose(rank, (1, 0))

    KP = 304
    q = lax.broadcasted_iota(jnp.int32, (KP, CH), 0)
    so = jnp.zeros((KP, 1), jnp.float32)
    fo_f = jnp.zeros((KP, 1), jnp.float32)
    for c in range(0, MCAP, CH):
        oh2 = jnp.where(rankr[:, c:c + CH] == q, 1.0, 0.0)
        so = so + jnp.sum(oh2 * cscr[:, c:c + CH], axis=1, keepdims=True)
        fo_f = fo_f + jnp.sum(oh2 * cfidr[:, c:c + CH], axis=1, keepdims=True)
    sot = lax.transpose(so, (1, 0))[0, :K]
    fo = lax.transpose(fo_f, (1, 0))[0, :K].astype(jnp.int32)
    lab_ref[0, 0, :] = fo % NUM_CLASSES
    qi_ref[0, 0, :] = fo // NUM_CLASSES
    sc_ref[0, 0, :] = sot


def _rank(scm, fidr):
    B = scm.shape[0]
    return pl.pallas_call(
        _rank_body,
        grid=(B,),
        in_specs=[pl.BlockSpec((1, 1, 2 * ECAP), lambda b: (b, 0, 0)),
                  pl.BlockSpec((1, 1, 2 * ECAP), lambda b: (b, 0, 0))],
        out_specs=[pl.BlockSpec((1, 1, K), lambda b: (b, 0, 0)),
                   pl.BlockSpec((1, 1, K), lambda b: (b, 0, 0)),
                   pl.BlockSpec((1, 1, K), lambda b: (b, 0, 0))],
        out_shape=[jax.ShapeDtypeStruct((B, 1, K), jnp.int32),
                   jax.ShapeDtypeStruct((B, 1, K), jnp.int32),
                   jax.ShapeDtypeStruct((B, 1, K), jnp.float32)],
    )(scm, fidr)


def kernel(pred_logits, pred_boxes, orig_target_sizes):
    B, N, C = pred_logits.shape
    table = pred_logits.reshape(B * NG, G)
    x3 = table.reshape(B, NG, G)

    gmax, thresh = _stage1(x3)
    vals, fids, cnts = _sc_capture(table, gmax.reshape(B * NGP),
                                   thresh.reshape(B, 16))

    ecnt = cnts[:, 1].reshape(B, 2, 1)
    sc01 = jax.nn.sigmoid(vals).reshape(B, 2, ECAP)
    valid = jnp.arange(ECAP, dtype=jnp.int32)[None, None, :] < ecnt
    scm = jnp.where(valid, sc01, -1.0).reshape(B, 1, 2 * ECAP)

    labels3, qidx3, scout3 = _rank(scm, fids.reshape(B, 1, 2 * ECAP))
    labels = labels3[:, 0, :]
    qidx = qidx3[:, 0, :]
    top_scores = scout3[:, 0, :]

    scale = jnp.tile(orig_target_sizes, (1, 2))[:, None, :]
    cx, cy, w, h = jnp.split(pred_boxes, 4, axis=-1)
    xyxy = jnp.concatenate(
        [cx - 0.5 * w, cy - 0.5 * h, cx + 0.5 * w, cy + 0.5 * h], axis=-1)
    bbox = xyxy * scale
    final_boxes = jnp.take_along_axis(
        bbox, jnp.broadcast_to(qidx[:, :, None], (B, K, 4)), axis=1)
    return (labels, final_boxes, top_scores)

# --- scband reference (transcript-rebuilt; emitter-appended) ---
"""Pipeline reference for scband-dfinepost-processor-69664369541242 (READ-ONLY COPY).

The authoritative reference and input builder live on the scoring server;
editing this copy changes nothing except your own understanding.
"""

import jax, jax.numpy as jnp
import numpy as np

NUM_CLASSES = 80
NUM_TOP_QUERIES = 300


def setup_inputs(seed: int = 0) -> dict:
    key = jax.random.key(seed)
    k1, k2, k3 = jax.random.split(key, 3)
    pred_logits = jax.random.normal(k1, (16, 20000, 80), dtype=jnp.float32)
    pred_boxes = jax.random.uniform(k2, (16, 20000, 4), dtype=jnp.float32)
    orig_target_sizes = jax.random.uniform(k3, (16, 2), dtype=jnp.float32)
    return {
        "pred_logits": pred_logits,
        "pred_boxes": pred_boxes,
        "orig_target_sizes": orig_target_sizes,
    }


def _box_cxcywh_to_xyxy(boxes):
    cx, cy, w, h = jnp.split(boxes, 4, axis=-1)
    return jnp.concatenate([cx - 0.5 * w, cy - 0.5 * h, cx + 0.5 * w, cy + 0.5 * h], axis=-1)


def reference(pred_logits, pred_boxes, orig_target_sizes):
    # scale_tensor = orig_target_sizes.repeat(1, 2).unsqueeze(1)
    scale_tensor = jnp.tile(orig_target_sizes, (1, 2))[:, None, :]  # [B, 1, 4]
    bbox_pred = _box_cxcywh_to_xyxy(pred_boxes) * scale_tensor      # [B, N, 4]

    # use_focal_loss branch
    scores = jax.nn.sigmoid(pred_logits)                            # [B, N, C]
    B = scores.shape[0]
    flat = scores.reshape(B, -1)                                    # [B, N*C]
    top_scores, index = jax.lax.top_k(flat, NUM_TOP_QUERIES)        # [B, K]
    labels = index % NUM_CLASSES
    query_index = index // NUM_CLASSES                              # [B, K]
    K = query_index.shape[1]
    gather_idx = jnp.broadcast_to(query_index[:, :, None], (B, K, 4))
    final_boxes = jnp.take_along_axis(bbox_pred, gather_idx, axis=1)  # [B, K, 4]
    return (labels, final_boxes, top_scores)

if __name__ == "__main__":
    import jax
    _d = setup_inputs()
    print(jax.jit(kernel)(*tuple(_d.values())))

</pallas_src>

<mosaic_0001>
#map = affine_map<(d0, d1) -> (0, 0)>
#map1 = affine_map<(d0, d1) -> (0)>
module attributes {stable_mosaic.version = 14 : i64} {
  func.func @sck(%arg0: i32, %arg1: i32, %arg2: memref<200000x128xf32, #tpu.memory_space<hbm>>, %arg3: memref<200704xf32, #tpu.memory_space<hbm>>, %arg4: memref<16x16xf32, #tpu.memory_space<hbm>>, %arg5: memref<32x1024xf32, #tpu.memory_space<hbm>>, %arg6: memref<32x1024xi32, #tpu.memory_space<hbm>>, %arg7: memref<32x16xi32, #tpu.memory_space<hbm>>, %arg8: memref<6272xf32, #tpu.memory_space<vmem>>, %arg9: memref<16xf32, #tpu.memory_space<vmem>>, %arg10: memref<512xi32, #tpu.memory_space<vmem>>, %arg11: memref<512x128xf32, #tpu.memory_space<vmem>>, %arg12: memref<1024xf32, #tpu.memory_space<vmem>>, %arg13: memref<1024xi32, #tpu.memory_space<vmem>>, %arg14: memref<16xi32, #tpu.memory_space<vmem>>, %arg15: memref<!tpu.dma_semaphore, #tpu.memory_space<semaphore_mem>>) attributes {dimension_semantics = [#tpu.dimension_semantics<core_parallel>, #tpu.dimension_semantics<subcore_parallel>], iteration_bounds = array<i64: 2, 16>, scalar_prefetch = 0 : i64, scratch_operands = 8 : i64, tpu.core_type = #tpu.core_type<sc_vector_subcore>, window_params = [{transform_indices = #map}, {transform_indices = #map1}, {transform_indices = #map}, {transform_indices = #map}, {transform_indices = #map}, {transform_indices = #map}]} {
    %mul3A = arith.constant 2 : i32
    %mul3A_0 = arith.muli %arg1, %mul3A : i32
    %add3A = arith.addi %mul3A_0, %arg0 : i32
    %jit3A = arith.constant 2 : i32
    %div3A = arith.divsi %add3A, %jit3A : i32
    %sign3A = arith.constant 0 : i32
    %sign3A_1 = arith.cmpi sgt, %add3A, %sign3A : i32
    %sign3A_2 = arith.extui %sign3A_1 : i1 to i32
    %sign3A_3 = arith.constant 0 : i32
    %sign3A_4 = arith.cmpi slt, %add3A, %sign3A_3 : i32
    %sign3A_5 = arith.extui %sign3A_4 : i1 to i32
    %sign3A_6 = arith.subi %sign3A_2, %sign3A_5 : i32
    %sign3A_7 = arith.constant 0 : i32
    %sign3A_8 = arith.cmpi sgt, %jit3A, %sign3A_7 : i32
    %sign3A_9 = arith.extui %sign3A_8 : i1 to i32
    %sign3A_10 = arith.constant 0 : i32
    %sign3A_11 = arith.cmpi slt, %jit3A, %sign3A_10 : i32
    %sign3A_12 = arith.extui %sign3A_11 : i1 to i32
    %sign3A_13 = arith.subi %sign3A_9, %sign3A_12 : i32
    %ne3A = arith.cmpi ne, %sign3A_6, %sign3A_13 : i32
    %rem3A = arith.remsi %add3A, %jit3A : i32
    %ne3A_14 = arith.constant 0 : i32
    %ne3A_15 = arith.cmpi ne, %rem3A, %ne3A_14 : i32
    %and3A = arith.andi %ne3A, %ne3A_15 : i1
    %sub3A = arith.constant 1 : i32
    %sub3A_16 = arith.subi %div3A, %sub3A : i32
    %select_n3A = arith.select %and3A, %sub3A_16, %div3A : i32
    %jit3A_17 = arith.constant 2 : i32
    %eq3A = arith.constant 0 : i32
    %eq3A_18 = arith.cmpi eq, %jit3A_17, %eq3A : i32
    %jit3A_19 = arith.constant 1 : i32
    %select_n3A_20 = arith.select %eq3A_18, %jit3A_19, %jit3A_17 : i32
    %rem3A_21 = arith.remsi %add3A, %select_n3A_20 : i32
    %ne3A_22 = arith.constant 0 : i32
    %ne3A_23 = arith.cmpi ne, %rem3A_21, %ne3A_22 : i32
    %lt3A = arith.constant 0 : i32
    %lt3A_24 = arith.cmpi slt, %rem3A_21, %lt3A : i32
    %lt3A_25 = arith.constant 0 : i32
    %lt3A_26 = arith.cmpi slt, %select_n3A_20, %lt3A_25 : i32
    %ne3A_27 = arith.xori %lt3A_24, %lt3A_26 : i1
    %and3A_28 = arith.andi %ne3A_27, %ne3A_23 : i1
    %add3A_29 = arith.addi %rem3A_21, %select_n3A_20 : i32
    %select_n3A_30 = arith.select %and3A_28, %add3A_29, %rem3A_21 : i32
    %iota3A = tpu.iota {dimensions = array<i32: 0>} : vector<16xi32>
    %mul3A_31 = arith.constant 12544 : i32
    %mul3A_32 = arith.muli %select_n3A, %mul3A_31 : i32
    %mul3A_33 = arith.constant 6272 : i32
    %mul3A_34 = arith.muli %select_n3A_30, %mul3A_33 : i32
    %add3A_35 = arith.addi %mul3A_32, %mul3A_34 : i32
    "tpu.region"() ({
      %run_scoped3A = tpu.sem_alloc : memref<!tpu.dma_semaphore, #tpu.memory_space<semaphore_mem>>
      %dma_start3A_133 = tpu.memref_slice %arg3[%add3A_35] : memref<200704xf32, #tpu.memory_space<hbm>> -> memref<6272xf32, #tpu.memory_space<hbm>>
      %dma_start3A_134 = tpu.memref_slice %arg3[%add3A_35] : memref<200704xf32, #tpu.memory_space<hbm>> -> memref<6272xf32, #tpu.memory_space<hbm>>
      tpu.enqueue_dma source(%dma_start3A_134 : memref<6272xf32, #tpu.memory_space<hbm>>) target(%arg8 : memref<6272xf32, #tpu.memory_space<vmem>>) target_semaphore(%run_scoped3A : memref<!tpu.dma_semaphore, #tpu.memory_space<semaphore_mem>>)
      %dma_wait3A_135 = tpu.memref_slice %arg3[%add3A_35] : memref<200704xf32, #tpu.memory_space<hbm>> -> memref<6272xf32, #tpu.memory_space<hbm>>
      %dma_wait3A_136 = tpu.memref_slice %arg3[%add3A_35] : memref<200704xf32, #tpu.memory_space<hbm>> -> memref<6272xf32, #tpu.memory_space<hbm>>
      tpu.wait_dma2 semaphore(%run_scoped3A : memref<!tpu.dma_semaphore, #tpu.memory_space<semaphore_mem>>) src(%dma_wait3A_136 : memref<6272xf32, #tpu.memory_space<hbm>>) dst(%arg8 : memref<6272xf32, #tpu.memory_space<vmem>>)
      tpu.yield
    }) : () -> ()
    "tpu.region"() ({
      %run_scoped3A = tpu.sem_alloc : memref<!tpu.dma_semaphore, #tpu.memory_space<semaphore_mem>>
      %dma_start3A_133 = arith.constant 0 : i32
      %dma_start3A_134 = tpu.memref_slice %arg4[%select_n3A, %dma_start3A_133] : memref<16x16xf32, #tpu.memory_space<hbm>> -> memref<1x16xf32, #tpu.memory_space<hbm>>
      %dma_start3A_135 = tpu.memref_squeeze %dma_start3A_134 : memref<1x16xf32, #tpu.memory_space<hbm>> -> memref<16xf32, #tpu.memory_space<hbm>>
      %dma_start3A_136 = arith.constant 0 : i32
      %dma_start3A_137 = tpu.memref_slice %arg4[%select_n3A, %dma_start3A_136] : memref<16x16xf32, #tpu.memory_space<hbm>> -> memref<1x16xf32, #tpu.memory_space<hbm>>
      %dma_start3A_138 = tpu.memref_squeeze %dma_start3A_137 : memref<1x16xf32, #tpu.memory_space<hbm>> -> memref<16xf32, #tpu.memory_space<hbm>>
      tpu.enqueue_dma source(%dma_start3A_138 : memref<16xf32, #tpu.memory_space<hbm>>) target(%arg9 : memref<16xf32, #tpu.memory_space<vmem>>) target_semaphore(%run_scoped3A : memref<!tpu.dma_semaphore, #tpu.memory_space<semaphore_mem>>)
      %dma_wait3A_139 = arith.constant 0 : i32
      %dma_wait3A_140 = tpu.memref_slice %arg4[%select_n3A, %dma_wait3A_139] : memref<16x16xf32, #tpu.memory_space<hbm>> -> memref<1x16xf32, #tpu.memory_space<hbm>>
      %dma_wait3A_141 = tpu.memref_squeeze %dma_wait3A_140 : memref<1x16xf32, #tpu.memory_space<hbm>> -> memref<16xf32, #tpu.memory_space<hbm>>
      %dma_wait3A_142 = arith.constant 0 : i32
      %dma_wait3A_143 = tpu.memref_slice %arg4[%select_n3A, %dma_wait3A_142] : memref<16x16xf32, #tpu.memory_space<hbm>> -> memref<1x16xf32, #tpu.memory_space<hbm>>
      %dma_wait3A_144 = tpu.memref_squeeze %dma_wait3A_143 : memref<1x16xf32, #tpu.memory_space<hbm>> -> memref<16xf32, #tpu.memory_space<hbm>>
      tpu.wait_dma2 semaphore(%run_scoped3A : memref<!tpu.dma_semaphore, #tpu.memory_space<semaphore_mem>>) src(%dma_wait3A_144 : memref<16xf32, #tpu.memory_space<hbm>>) dst(%arg9 : memref<16xf32, #tpu.memory_space<vmem>>)
      tpu.yield
    }) : () -> ()
    %get3A = arith.constant 0 : index
    %get3A_36 = tpu.vector_load %arg9[%get3A] {strides = array<i32>} : memref<16xf32, #tpu.memory_space<vmem>>, vector<16xf32>,
    %scan3A = arith.constant 0 : i32
    %scan3A_37 = arith.constant 32 : i32
    %scan3A_38 = arith.addi %scan3A, %scan3A_37 : i32
    %scan3A_39 = arith.constant 1 : i32
    scf.for %scan3A_133 = %scan3A to %scan3A_38 step %scan3A_39  : i32 {
      %mul3A_134 = arith.constant 16 : i32
      %mul3A_135 = arith.muli %scan3A_133, %mul3A_134 : i32
      %add3A_136 = arith.constant 0 : i32
      %add3A_137 = arith.addi %add3A_136, %mul3A_135 : i32
      %broadcast_in_dim3A_138 = arith.constant 0 : i32
      %broadcast_in_dim3A_139 = vector.broadcast %broadcast_in_dim3A_138 : i32 to vector<16xi32>
      %mul3A_140 = arith.constant 12500 : i32
      %mul3A_141 = arith.muli %select_n3A, %mul3A_140 : i32
      %add3A_142 = vector.broadcast %mul3A_141 : i32 to vector<16xi32>
      %add3A_143 = arith.addi %broadcast_in_dim3A_139, %add3A_142 : vector<16xi32>
      %swap3A_144 = arith.index_cast %add3A_137 : i32 to index
      %swap3A_145 = tpu.vector_load %arg10[%swap3A_144] {strides = array<i32>} : memref<512xi32, #tpu.memory_space<vmem>>, vector<16xi32>,
      tpu.vector_store %arg10[%swap3A_144], %add3A_143 {strides = array<i32>} : memref<512xi32, #tpu.memory_space<vmem>>, vector<16xi32>,
    }
    %scan3A_40 = arith.constant 32 : i32
    %scan3A_41 = arith.constant 0 : i32
    %scan3A_42 = arith.constant 0 : i32
    %scan3A_43 = arith.constant 392 : i32
    %scan3A_44 = arith.addi %scan3A_42, %scan3A_43 : i32
    %scan3A_45 = arith.constant 1 : i32
    %scan3A_46 = scf.for %scan3A_133 = %scan3A_42 to %scan3A_44 step %scan3A_45 iter_args(%scan3A_134 = %scan3A_41) -> (i32)  : i32 {
      %mul3A_135 = arith.constant 16 : i32
      %mul3A_136 = arith.muli %scan3A_133, %mul3A_135 : i32
      %get3A_137 = arith.index_cast %mul3A_136 : i32 to index
      %get3A_138 = tpu.vector_load %arg8[%get3A_137] {strides = array<i32>} : memref<6272xf32, #tpu.memory_space<vmem>>, vector<16xf32>,
      %mul3A_139 = arith.constant 6272 : i32
      %mul3A_140 = arith.muli %select_n3A_30, %mul3A_139 : i32
      %mul3A_141 = arith.constant 16 : i32
      %mul3A_142 = arith.muli %scan3A_133, %mul3A_141 : i32
      %add3A_143 = arith.addi %mul3A_140, %mul3A_142 : i32
      %add3A_144 = vector.broadcast %add3A_143 : i32 to vector<16xi32>
      %add3A_145 = arith.addi %add3A_144, %iota3A : vector<16xi32>
      %ge3A = arith.cmpf oge, %get3A_138, %get3A_36 : vector<16xf32>
      %lt3A_146 = arith.constant 12500 : i32
      %lt3A_147 = vector.broadcast %lt3A_146 : i32 to vector<16xi32>
      %lt3A_148 = arith.cmpi slt, %add3A_145, %lt3A_147 : vector<16xi32>
      %and3A_149 = arith.andi %ge3A, %lt3A_148 : vector<16xi1>
      %min3A = arith.constant 496 : i32
      %min3A_150 = arith.minsi %scan3A_134, %min3A : i32
      %mul3A_151 = arith.constant 12500 : i32
      %mul3A_152 = arith.muli %select_n3A, %mul3A_151 : i32
      %add3A_153 = vector.broadcast %mul3A_152 : i32 to vector<16xi32>
      %add3A_154 = arith.addi %add3A_153, %add3A_145 : vector<16xi32>
      %swap3A_155 = arith.index_cast %min3A_150 : i32 to index
      %swap3A_156 = tpu.vector_load %arg10[%swap3A_155] masked %and3A_149 {strides = array<i32>} : memref<512xi32, #tpu.memory_space<vmem>>, vector<16xi32>, vector<16xi1>
      tpu.vector_store %arg10[%swap3A_155], %add3A_154 masked %and3A_149 {strides = array<i32>} : memref<512xi32, #tpu.memory_space<vmem>>, vector<16xi32>, vector<16xi1>
      %convert_element_type3A = arith.extui %and3A_149 : vector<16xi1> to vector<16xi32>
      %reduce_sum3A = arith.constant true
      %reduce_sum3A_157 = vector.broadcast %reduce_sum3A : i1 to vector<16xi1>
      %reduce_sum3A_158 = tpu.scan <sum>, %convert_element_type3A masked %reduce_sum3A_157 : vector<16xi32>, vector<16xi1> -> vector<16xi32>
      %reduce_sum3A_159 = vector.extract %reduce_sum3A_158[15] : i32 from vector<16xi32>
      %add3A_160 = arith.addi %scan3A_134, %reduce_sum3A_159 : i32
      scf.yield %add3A_160 : i32
    }
    %scan3A_47 = arith.constant 392 : i32
    %dma_start3A = arith.constant 0 : i32
    %dma_start3A_48 = arith.constant 0 : i32
    %dma_start3A_49 = tpu.memref_slice %arg11[%dma_start3A, %dma_start3A_48] : memref<512x128xf32, #tpu.memory_space<vmem>> -> memref<128x128xf32, #tpu.memory_space<vmem>>
    %dma_start3A_50 = arith.constant 0 : i32
    %dma_start3A_51 = tpu.memref_slice %arg10[%dma_start3A_50] : memref<512xi32, #tpu.memory_space<vmem>> -> memref<128xi32, #tpu.memory_space<vmem>>
    %dma_start3A_52 = arith.constant 0 : i32
    %dma_start3A_53 = arith.constant 0 : i32
    %dma_start3A_54 = tpu.memref_slice %arg2[%dma_start3A_52, %dma_start3A_53] : memref<200000x128xf32, #tpu.memory_space<hbm>> -> memref<200000x128xf32, #tpu.memory_space<hbm>>
    tpu.enqueue_indirect_dma source(%dma_start3A_54 : memref<200000x128xf32, #tpu.memory_space<hbm>>) target(%dma_start3A_49 : memref<128x128xf32, #tpu.memory_space<vmem>>) offsets(%dma_start3A_51 : memref<128xi32, #tpu.memory_space<vmem>>) semaphore(%arg15 : memref<!tpu.dma_semaphore, #tpu.memory_space<semaphore_mem>>)
    %dma_start3A_55 = arith.constant 128 : i32
    %dma_start3A_56 = arith.constant 0 : i32
    %dma_start3A_57 = tpu.memref_slice %arg11[%dma_start3A_55, %dma_start3A_56] : memref<512x128xf32, #tpu.memory_space<vmem>> -> memref<128x128xf32, #tpu.memory_space<vmem>>
    %dma_start3A_58 = arith.constant 128 : i32
    %dma_start3A_59 = tpu.memref_slice %arg10[%dma_start3A_58] : memref<512xi32, #tpu.memory_space<vmem>> -> memref<128xi32, #tpu.memory_space<vmem>>
    %dma_start3A_60 = arith.constant 0 : i32
    %dma_start3A_61 = arith.constant 0 : i32
    %dma_start3A_62 = tpu.memref_slice %arg2[%dma_start3A_60, %dma_start3A_61] : memref<200000x128xf32, #tpu.memory_space<hbm>> -> memref<200000x128xf32, #tpu.memory_space<hbm>>
    tpu.enqueue_indirect_dma source(%dma_start3A_62 : memref<200000x128xf32, #tpu.memory_space<hbm>>) target(%dma_start3A_57 : memref<128x128xf32, #tpu.memory_space<vmem>>) offsets(%dma_start3A_59 : memref<128xi32, #tpu.memory_space<vmem>>) semaphore(%arg15 : memref<!tpu.dma_semaphore, #tpu.memory_space<semaphore_mem>>)
    %dma_start3A_63 = arith.constant 256 : i32
    %dma_start3A_64 = arith.constant 0 : i32
    %dma_start3A_65 = tpu.memref_slice %arg11[%dma_start3A_63, %dma_start3A_64] : memref<512x128xf32, #tpu.memory_space<vmem>> -> memref<128x128xf32, #tpu.memory_space<vmem>>
    %dma_start3A_66 = arith.constant 256 : i32
    %dma_start3A_67 = tpu.memref_slice %arg10[%dma_start3A_66] : memref<512xi32, #tpu.memory_space<vmem>> -> memref<128xi32, #tpu.memory_space<vmem>>
    %dma_start3A_68 = arith.constant 0 : i32
    %dma_start3A_69 = arith.constant 0 : i32
    %dma_start3A_70 = tpu.memref_slice %arg2[%dma_start3A_68, %dma_start3A_69] : memref<200000x128xf32, #tpu.memory_space<hbm>> -> memref<200000x128xf32, #tpu.memory_space<hbm>>
    tpu.enqueue_indirect_dma source(%dma_start3A_70 : memref<200000x128xf32, #tpu.memory_space<hbm>>) target(%dma_start3A_65 : memref<128x128xf32, #tpu.memory_space<vmem>>) offsets(%dma_start3A_67 : memref<128xi32, #tpu.memory_space<vmem>>) semaphore(%arg15 : memref<!tpu.dma_semaphore, #tpu.memory_space<semaphore_mem>>)
    %dma_start3A_71 = arith.constant 384 : i32
    %dma_start3A_72 = arith.constant 0 : i32
    %dma_start3A_73 = tpu.memref_slice %arg11[%dma_start3A_71, %dma_start3A_72] : memref<512x128xf32, #tpu.memory_space<vmem>> -> memref<128x128xf32, #tpu.memory_space<vmem>>
    %dma_start3A_74 = arith.constant 384 : i32
    %dma_start3A_75 = tpu.memref_slice %arg10[%dma_start3A_74] : memref<512xi32, #tpu.memory_space<vmem>> -> memref<128xi32, #tpu.memory_space<vmem>>
    %dma_start3A_76 = arith.constant 0 : i32
    %dma_start3A_77 = arith.constant 0 : i32
    %dma_start3A_78 = tpu.memref_slice %arg2[%dma_start3A_76, %dma_start3A_77] : memref<200000x128xf32, #tpu.memory_space<hbm>> -> memref<200000x128xf32, #tpu.memory_space<hbm>>
    tpu.enqueue_indirect_dma source(%dma_start3A_78 : memref<200000x128xf32, #tpu.memory_space<hbm>>) target(%dma_start3A_73 : memref<128x128xf32, #tpu.memory_space<vmem>>) offsets(%dma_start3A_75 : memref<128xi32, #tpu.memory_space<vmem>>) semaphore(%arg15 : memref<!tpu.dma_semaphore, #tpu.memory_space<semaphore_mem>>)
    %dma_wait3A = arith.constant 0 : i32
    %dma_wait3A_79 = arith.constant 0 : i32
    %dma_wait3A_80 = tpu.memref_slice %arg11[%dma_wait3A, %dma_wait3A_79] : memref<512x128xf32, #tpu.memory_space<vmem>> -> memref<128x128xf32, #tpu.memory_space<vmem>>
    %dma_wait3A_81 = arith.constant 0 : i32
    %dma_wait3A_82 = tpu.memref_slice %arg10[%dma_wait3A_81] : memref<512xi32, #tpu.memory_space<vmem>> -> memref<128xi32, #tpu.memory_space<vmem>>
    %dma_wait3A_83 = arith.constant 0 : i32
    %dma_wait3A_84 = arith.constant 0 : i32
    %dma_wait3A_85 = tpu.memref_slice %arg2[%dma_wait3A_83, %dma_wait3A_84] : memref<200000x128xf32, #tpu.memory_space<hbm>> -> memref<200000x128xf32, #tpu.memory_space<hbm>>
    tpu.wait_indirect_dma semaphore(%arg15 : memref<!tpu.dma_semaphore, #tpu.memory_space<semaphore_mem>>) src(%dma_wait3A_85 : memref<200000x128xf32, #tpu.memory_space<hbm>>) dst(%dma_wait3A_80 : memref<128x128xf32, #tpu.memory_space<vmem>>)
    %dma_wait3A_86 = arith.constant 128 : i32
    %dma_wait3A_87 = arith.constant 0 : i32
    %dma_wait3A_88 = tpu.memref_slice %arg11[%dma_wait3A_86, %dma_wait3A_87] : memref<512x128xf32, #tpu.memory_space<vmem>> -> memref<128x128xf32, #tpu.memory_space<vmem>>
    %dma_wait3A_89 = arith.constant 128 : i32
    %dma_wait3A_90 = tpu.memref_slice %arg10[%dma_wait3A_89] : memref<512xi32, #tpu.memory_space<vmem>> -> memref<128xi32, #tpu.memory_space<vmem>>
    %dma_wait3A_91 = arith.constant 0 : i32
    %dma_wait3A_92 = arith.constant 0 : i32
    %dma_wait3A_93 = tpu.memref_slice %arg2[%dma_wait3A_91, %dma_wait3A_92] : memref<200000x128xf32, #tpu.memory_space<hbm>> -> memref<200000x128xf32, #tpu.memory_space<hbm>>
    tpu.wait_indirect_dma semaphore(%arg15 : memref<!tpu.dma_semaphore, #tpu.memory_space<semaphore_mem>>) src(%dma_wait3A_93 : memref<200000x128xf32, #tpu.memory_space<hbm>>) dst(%dma_wait3A_88 : memref<128x128xf32, #tpu.memory_space<vmem>>)
    %dma_wait3A_94 = arith.constant 256 : i32
    %dma_wait3A_95 = arith.constant 0 : i32
    %dma_wait3A_96 = tpu.memref_slice %arg11[%dma_wait3A_94, %dma_wait3A_95] : memref<512x128xf32, #tpu.memory_space<vmem>> -> memref<128x128xf32, #tpu.memory_space<vmem>>
    %dma_wait3A_97 = arith.constant 256 : i32
    %dma_wait3A_98 = tpu.memref_slice %arg10[%dma_wait3A_97] : memref<512xi32, #tpu.memory_space<vmem>> -> memref<128xi32, #tpu.memory_space<vmem>>
    %dma_wait3A_99 = arith.constant 0 : i32
    %dma_wait3A_100 = arith.constant 0 : i32
    %dma_wait3A_101 = tpu.memref_slice %arg2[%dma_wait3A_99, %dma_wait3A_100] : memref<200000x128xf32, #tpu.memory_space<hbm>> -> memref<200000x128xf32, #tpu.memory_space<hbm>>
    tpu.wait_indirect_dma semaphore(%arg15 : memref<!tpu.dma_semaphore, #tpu.memory_space<semaphore_mem>>) src(%dma_wait3A_101 : memref<200000x128xf32, #tpu.memory_space<hbm>>) dst(%dma_wait3A_96 : memref<128x128xf32, #tpu.memory_space<vmem>>)
    %dma_wait3A_102 = arith.constant 384 : i32
    %dma_wait3A_103 = arith.constant 0 : i32
    %dma_wait3A_104 = tpu.memref_slice %arg11[%dma_wait3A_102, %dma_wait3A_103] : memref<512x128xf32, #tpu.memory_space<vmem>> -> memref<128x128xf32, #tpu.memory_space<vmem>>
    %dma_wait3A_105 = arith.constant 384 : i32
    %dma_wait3A_106 = tpu.memref_slice %arg10[%dma_wait3A_105] : memref<512xi32, #tpu.memory_space<vmem>> -> memref<128xi32, #tpu.memory_space<vmem>>
    %dma_wait3A_107 = arith.constant 0 : i32
    %dma_wait3A_108 = arith.constant 0 : i32
    %dma_wait3A_109 = tpu.memref_slice %arg2[%dma_wait3A_107, %dma_wait3A_108] : memref<200000x128xf32, #tpu.memory_space<hbm>> -> memref<200000x128xf32, #tpu.memory_space<hbm>>
    tpu.wait_indirect_dma semaphore(%arg15 : memref<!tpu.dma_semaphore, #tpu.memory_space<semaphore_mem>>) src(%dma_wait3A_109 : memref<200000x128xf32, #tpu.memory_space<hbm>>) dst(%dma_wait3A_104 : memref<128x128xf32, #tpu.memory_space<vmem>>)
    %while3A = arith.constant 0 : i32
    %while3A_110 = arith.constant 0 : i32
    %while3A_111 = arith.subi %scan3A_46, %while3A : i32
    %while3A_112 = arith.addi %while3A, %while3A_111 : i32
    %while3A_113 = arith.constant 1 : i32
    %while3A_114 = arith.divsi %while3A_111, %while3A_113 : i32
    %while3A_115 = arith.muli %while3A_114, %while3A_113 : i32
    %while3A_116 = arith.addi %while3A, %while3A_115 : i32
    %while3A_117 = arith.constant 1 : i32
    %while3A_118 = scf.for %while3A_133 = %while3A to %while3A_116 step %while3A_117 iter_args(%while3A_134 = %while3A_110) -> (i32)  : i32 {
      %broadcast_in_dim3A_135 = arith.constant 0 : i32
      %broadcast_in_dim3A_136 = vector.broadcast %broadcast_in_dim3A_135 : i32 to vector<16xi32>
      %add3A_137 = vector.broadcast %while3A_133 : i32 to vector<16xi32>
      %add3A_138 = arith.addi %broadcast_in_dim3A_136, %add3A_137 : vector<16xi32>
      %gather3A = tpu.vector_load_idx %arg10[%add3A_138] : memref<512xi32, #tpu.memory_space<vmem>>[vector<16xi32>], vector<16xi32>,
      %mul3A_139 = arith.constant 12500 : i32
      %mul3A_140 = arith.muli %select_n3A, %mul3A_139 : i32
      %sub3A_141 = vector.broadcast %mul3A_140 : i32 to vector<16xi32>
      %sub3A_142 = arith.subi %gather3A, %sub3A_141 : vector<16xi32>
      %mul3A_143 = arith.constant 128 : i32
      %mul3A_144 = vector.broadcast %mul3A_143 : i32 to vector<16xi32>
      %mul3A_145 = arith.muli %sub3A_142, %mul3A_144 : vector<16xi32>
      %get3A_146 = arith.index_cast %while3A_133 : i32 to index
      %get3A_147 = arith.constant 0 : index
      %get3A_148 = tpu.vector_load %arg11[%get3A_146, %get3A_147] {strides = array<i32>} : memref<512x128xf32, #tpu.memory_space<vmem>>, vector<16xf32>,
      %ge3A = arith.cmpf oge, %get3A_148, %get3A_36 : vector<16xf32>
      %min3A = arith.constant 1008 : i32
      %min3A_149 = arith.minsi %while3A_134, %min3A : i32
      %swap3A_150 = arith.index_cast %min3A_149 : i32 to index
      %swap3A_151 = tpu.vector_load %arg12[%swap3A_150] masked %ge3A {strides = array<i32>} : memref<1024xf32, #tpu.memory_space<vmem>>, vector<16xf32>, vector<16xi1>
      tpu.vector_store %arg12[%swap3A_150], %get3A_148 masked %ge3A {strides = array<i32>} : memref<1024xf32, #tpu.memory_space<vmem>>, vector<16xf32>, vector<16xi1>
      %add3A_152 = arith.constant 0 : i32
      %add3A_153 = vector.broadcast %add3A_152 : i32 to vector<16xi32>
      %add3A_154 = arith.addi %mul3A_145, %add3A_153 : vector<16xi32>
      %add3A_155 = arith.addi %add3A_154, %iota3A : vector<16xi32>
      %swap3A_156 = arith.index_cast %min3A_149 : i32 to index
      %swap3A_157 = tpu.vector_load %arg13[%swap3A_156] masked %ge3A {strides = array<i32>} : memref<1024xi32, #tpu.memory_space<vmem>>, vector<16xi32>, vector<16xi1>
      tpu.vector_store %arg13[%swap3A_156], %add3A_155 masked %ge3A {strides = array<i32>} : memref<1024xi32, #tpu.memory_space<vmem>>, vector<16xi32>, vector<16xi1>
      %convert_element_type3A = arith.extui %ge3A : vector<16xi1> to vector<16xi32>
      %reduce_sum3A = arith.constant true
      %reduce_sum3A_158 = vector.broadcast %reduce_sum3A : i1 to vector<16xi1>
      %reduce_sum3A_159 = tpu.scan <sum>, %convert_element_type3A masked %reduce_sum3A_158 : vector<16xi32>, vector<16xi1> -> vector<16xi32>
      %reduce_sum3A_160 = vector.extract %reduce_sum3A_159[15] : i32 from vector<16xi32>
      %add3A_161 = arith.addi %while3A_134, %reduce_sum3A_160 : i32
      %get3A_162 = arith.index_cast %while3A_133 : i32 to index
      %get3A_163 = arith.constant 16 : index
      %get3A_164 = tpu.vector_load %arg11[%get3A_162, %get3A_163] {strides = array<i32>} : memref<512x128xf32, #tpu.memory_space<vmem>>, vector<16xf32>,
      %ge3A_165 = arith.cmpf oge, %get3A_164, %get3A_36 : vector<16xf32>
      %min3A_166 = arith.constant 1008 : i32
      %min3A_167 = arith.minsi %add3A_161, %min3A_166 : i32
      %swap3A_168 = arith.index_cast %min3A_167 : i32 to index
      %swap3A_169 = tpu.vector_load %arg12[%swap3A_168] masked %ge3A_165 {strides = array<i32>} : memref<1024xf32, #tpu.memory_space<vmem>>, vector<16xf32>, vector<16xi1>
      tpu.vector_store %arg12[%swap3A_168], %get3A_164 masked %ge3A_165 {strides = array<i32>} : memref<1024xf32, #tpu.memory_space<vmem>>, vector<16xf32>, vector<16xi1>
      %add3A_170 = arith.constant 16 : i32
      %add3A_171 = vector.broadcast %add3A_170 : i32 to vector<16xi32>
      %add3A_172 = arith.addi %mul3A_145, %add3A_171 : vector<16xi32>
      %add3A_173 = arith.addi %add3A_172, %iota3A : vector<16xi32>
      %swap3A_174 = arith.index_cast %min3A_167 : i32 to index
      %swap3A_175 = tpu.vector_load %arg13[%swap3A_174] masked %ge3A_165 {strides = array<i32>} : memref<1024xi32, #tpu.memory_space<vmem>>, vector<16xi32>, vector<16xi1>
      tpu.vector_store %arg13[%swap3A_174], %add3A_173 masked %ge3A_165 {strides = array<i32>} : memref<1024xi32, #tpu.memory_space<vmem>>, vector<16xi32>, vector<16xi1>
      %convert_element_type3A_176 = arith.extui %ge3A_165 : vector<16xi1> to vector<16xi32>
      %reduce_sum3A_177 = arith.constant true
      %reduce_sum3A_178 = vector.broadcast %reduce_sum3A_177 : i1 to vector<16xi1>
      %reduce_sum3A_179 = tpu.scan <sum>, %convert_element_type3A_176 masked %reduce_sum3A_178 : vector<16xi32>, vector<16xi1> -> vector<16xi32>
      %reduce_sum3A_180 = vector.extract %reduce_sum3A_179[15] : i32 from vector<16xi32>
      %add3A_181 = arith.addi %add3A_161, %reduce_sum3A_180 : i32
      %get3A_182 = arith.index_cast %while3A_133 : i32 to index
      %get3A_183 = arith.constant 32 : index
      %get3A_184 = tpu.vector_load %arg11[%get3A_182, %get3A_183] {strides = array<i32>} : memref<512x128xf32, #tpu.memory_space<vmem>>, vector<16xf32>,
      %ge3A_185 = arith.cmpf oge, %get3A_184, %get3A_36 : vector<16xf32>
      %min3A_186 = arith.constant 1008 : i32
      %min3A_187 = arith.minsi %add3A_181, %min3A_186 : i32
      %swap3A_188 = arith.index_cast %min3A_187 : i32 to index
      %swap3A_189 = tpu.vector_load %arg12[%swap3A_188] masked %ge3A_185 {strides = array<i32>} : memref<1024xf32, #tpu.memory_space<vmem>>, vector<16xf32>, vector<16xi1>
      tpu.vector_store %arg12[%swap3A_188], %get3A_184 masked %ge3A_185 {strides = array<i32>} : memref<1024xf32, #tpu.memory_space<vmem>>, vector<16xf32>, vector<16xi1>
      %add3A_190 = arith.constant 32 : i32
      %add3A_191 = vector.broadcast %add3A_190 : i32 to vector<16xi32>
      %add3A_192 = arith.addi %mul3A_145, %add3A_191 : vector<16xi32>
      %add3A_193 = arith.addi %add3A_192, %iota3A : vector<16xi32>
      %swap3A_194 = arith.index_cast %min3A_187 : i32 to index
      %swap3A_195 = tpu.vector_load %arg13[%swap3A_194] masked %ge3A_185 {strides = array<i32>} : memref<1024xi32, #tpu.memory_space<vmem>>, vector<16xi32>, vector<16xi1>
      tpu.vector_store %arg13[%swap3A_194], %add3A_193 masked %ge3A_185 {strides = array<i32>} : memref<1024xi32, #tpu.memory_space<vmem>>, vector<16xi32>, vector<16xi1>
      %convert_element_type3A_196 = arith.extui %ge3A_185 : vector<16xi1> to vector<16xi32>
      %reduce_sum3A_197 = arith.constant true
      %reduce_sum3A_198 = vector.broadcast %reduce_sum3A_197 : i1 to vector<16xi1>
      %reduce_sum3A_199 = tpu.scan <sum>, %convert_element_type3A_196 masked %reduce_sum3A_198 : vector<16xi32>, vector<16xi1> -> vector<16xi32>
      %reduce_sum3A_200 = vector.extract %reduce_sum3A_199[15] : i32 from vector<16xi32>
      %add3A_201 = arith.addi %add3A_181, %reduce_sum3A_200 : i32
      %get3A_202 = arith.index_cast %while3A_133 : i32 to index
      %get3A_203 = arith.constant 48 : index
      %get3A_204 = tpu.vector_load %arg11[%get3A_202, %get3A_203] {strides = array<i32>} : memref<512x128xf32, #tpu.memory_space<vmem>>, vector<16xf32>,
      %ge3A_205 = arith.cmpf oge, %get3A_204, %get3A_36 : vector<16xf32>
      %min3A_206 = arith.constant 1008 : i32
      %min3A_207 = arith.minsi %add3A_201, %min3A_206 : i32
      %swap3A_208 = arith.index_cast %min3A_207 : i32 to index
      %swap3A_209 = tpu.vector_load %arg12[%swap3A_208] masked %ge3A_205 {strides = array<i32>} : memref<1024xf32, #tpu.memory_space<vmem>>, vector<16xf32>, vector<16xi1>
      tpu.vector_store %arg12[%swap3A_208], %get3A_204 masked %ge3A_205 {strides = array<i32>} : memref<1024xf32, #tpu.memory_space<vmem>>, vector<16xf32>, vector<16xi1>
      %add3A_210 = arith.constant 48 : i32
      %add3A_211 = vector.broadcast %add3A_210 : i32 to vector<16xi32>
      %add3A_212 = arith.addi %mul3A_145, %add3A_211 : vector<16xi32>
      %add3A_213 = arith.addi %add3A_212, %iota3A : vector<16xi32>
      %swap3A_214 = arith.index_cast %min3A_207 : i32 to index
      %swap3A_215 = tpu.vector_load %arg13[%swap3A_214] masked %ge3A_205 {strides = array<i32>} : memref<1024xi32, #tpu.memory_space<vmem>>, vector<16xi32>, vector<16xi1>
      tpu.vector_store %arg13[%swap3A_214], %add3A_213 masked %ge3A_205 {strides = array<i32>} : memref<1024xi32, #tpu.memory_space<vmem>>, vector<16xi32>, vector<16xi1>
      %convert_element_type3A_216 = arith.extui %ge3A_205 : vector<16xi1> to vector<16xi32>
      %reduce_sum3A_217 = arith.constant true
      %reduce_sum3A_218 = vector.broadcast %reduce_sum3A_217 : i1 to vector<16xi1>
      %reduce_sum3A_219 = tpu.scan <sum>, %convert_element_type3A_216 masked %reduce_sum3A_218 : vector<16xi32>, vector<16xi1> -> vector<16xi32>
      %reduce_sum3A_220 = vector.extract %reduce_sum3A_219[15] : i32 from vector<16xi32>
      %add3A_221 = arith.addi %add3A_201, %reduce_sum3A_220 : i32
      %get3A_222 = arith.index_cast %while3A_133 : i32 to index
      %get3A_223 = arith.constant 64 : index
      %get3A_224 = tpu.vector_load %arg11[%get3A_222, %get3A_223] {strides = array<i32>} : memref<512x128xf32, #tpu.memory_space<vmem>>, vector<16xf32>,
      %ge3A_225 = arith.cmpf oge, %get3A_224, %get3A_36 : vector<16xf32>
      %min3A_226 = arith.constant 1008 : i32
      %min3A_227 = arith.minsi %add3A_221, %min3A_226 : i32
      %swap3A_228 = arith.index_cast %min3A_227 : i32 to index
      %swap3A_229 = tpu.vector_load %arg12[%swap3A_228] masked %ge3A_225 {strides = array<i32>} : memref<1024xf32, #tpu.memory_space<vmem>>, vector<16xf32>, vector<16xi1>
      tpu.vector_store %arg12[%swap3A_228], %get3A_224 masked %ge3A_225 {strides = array<i32>} : memref<1024xf32, #tpu.memory_space<vmem>>, vector<16xf32>, vector<16xi1>
      %add3A_230 = arith.constant 64 : i32
      %add3A_231 = vector.broadcast %add3A_230 : i32 to vector<16xi32>
      %add3A_232 = arith.addi %mul3A_145, %add3A_231 : vector<16xi32>
      %add3A_233 = arith.addi %add3A_232, %iota3A : vector<16xi32>
      %swap3A_234 = arith.index_cast %min3A_227 : i32 to index
      %swap3A_235 = tpu.vector_load %arg13[%swap3A_234] masked %ge3A_225 {strides = array<i32>} : memref<1024xi32, #tpu.memory_space<vmem>>, vector<16xi32>, vector<16xi1>
      tpu.vector_store %arg13[%swap3A_234], %add3A_233 masked %ge3A_225 {strides = array<i32>} : memref<1024xi32, #tpu.memory_space<vmem>>, vector<16xi32>, vector<16xi1>
      %convert_element_type3A_236 = arith.extui %ge3A_225 : vector<16xi1> to vector<16xi32>
      %reduce_sum3A_237 = arith.constant true
      %reduce_sum3A_238 = vector.broadcast %reduce_sum3A_237 : i1 to vector<16xi1>
      %reduce_sum3A_239 = tpu.scan <sum>, %convert_element_type3A_236 masked %reduce_sum3A_238 : vector<16xi32>, vector<16xi1> -> vector<16xi32>
      %reduce_sum3A_240 = vector.extract %reduce_sum3A_239[15] : i32 from vector<16xi32>
      %add3A_241 = arith.addi %add3A_221, %reduce_sum3A_240 : i32
      %get3A_242 = arith.index_cast %while3A_133 : i32 to index
      %get3A_243 = arith.constant 80 : index
      %get3A_244 = tpu.vector_load %arg11[%get3A_242, %get3A_243] {strides = array<i32>} : memref<512x128xf32, #tpu.memory_space<vmem>>, vector<16xf32>,
      %ge3A_245 = arith.cmpf oge, %get3A_244, %get3A_36 : vector<16xf32>
      %min3A_246 = arith.constant 1008 : i32
      %min3A_247 = arith.minsi %add3A_241, %min3A_246 : i32
      %swap3A_248 = arith.index_cast %min3A_247 : i32 to index
      %swap3A_249 = tpu.vector_load %arg12[%swap3A_248] masked %ge3A_245 {strides = array<i32>} : memref<1024xf32, #tpu.memory_space<vmem>>, vector<16xf32>, vector<16xi1>
      tpu.vector_store %arg12[%swap3A_248], %get3A_244 masked %ge3A_245 {strides = array<i32>} : memref<1024xf32, #tpu.memory_space<vmem>>, vector<16xf32>, vector<16xi1>
      %add3A_250 = arith.constant 80 : i32
      %add3A_251 = vector.broadcast %add3A_250 : i32 to vector<16xi32>
      %add3A_252 = arith.addi %mul3A_145, %add3A_251 : vector<16xi32>
      %add3A_253 = arith.addi %add3A_252, %iota3A : vector<16xi32>
      %swap3A_254 = arith.index_cast %min3A_247 : i32 to index
      %swap3A_255 = tpu.vector_load %arg13[%swap3A_254] masked %ge3A_245 {strides = array<i32>} : memref<1024xi32, #tpu.memory_space<vmem>>, vector<16xi32>, vector<16xi1>
      tpu.vector_store %arg13[%swap3A_254], %add3A_253 masked %ge3A_245 {strides = array<i32>} : memref<1024xi32, #tpu.memory_space<vmem>>, vector<16xi32>, vector<16xi1>
      %convert_element_type3A_256 = arith.extui %ge3A_245 : vector<16xi1> to vector<16xi32>
      %reduce_sum3A_257 = arith.constant true
      %reduce_sum3A_258 = vector.broadcast %reduce_sum3A_257 : i1 to vector<16xi1>
      %reduce_sum3A_259 = tpu.scan <sum>, %convert_element_type3A_256 masked %reduce_sum3A_258 : vector<16xi32>, vector<16xi1> -> vector<16xi32>
      %reduce_sum3A_260 = vector.extract %reduce_sum3A_259[15] : i32 from vector<16xi32>
      %add3A_261 = arith.addi %add3A_241, %reduce_sum3A_260 : i32
      %get3A_262 = arith.index_cast %while3A_133 : i32 to index
      %get3A_263 = arith.constant 96 : index
      %get3A_264 = tpu.vector_load %arg11[%get3A_262, %get3A_263] {strides = array<i32>} : memref<512x128xf32, #tpu.memory_space<vmem>>, vector<16xf32>,
      %ge3A_265 = arith.cmpf oge, %get3A_264, %get3A_36 : vector<16xf32>
      %min3A_266 = arith.constant 1008 : i32
      %min3A_267 = arith.minsi %add3A_261, %min3A_266 : i32
      %swap3A_268 = arith.index_cast %min3A_267 : i32 to index
      %swap3A_269 = tpu.vector_load %arg12[%swap3A_268] masked %ge3A_265 {strides = array<i32>} : memref<1024xf32, #tpu.memory_space<vmem>>, vector<16xf32>, vector<16xi1>
      tpu.vector_store %arg12[%swap3A_268], %get3A_264 masked %ge3A_265 {strides = array<i32>} : memref<1024xf32, #tpu.memory_space<vmem>>, vector<16xf32>, vector<16xi1>
      %add3A_270 = arith.constant 96 : i32
      %add3A_271 = vector.broadcast %add3A_270 : i32 to vector<16xi32>
      %add3A_272 = arith.addi %mul3A_145, %add3A_271 : vector<16xi32>
      %add3A_273 = arith.addi %add3A_272, %iota3A : vector<16xi32>
      %swap3A_274 = arith.index_cast %min3A_267 : i32 to index
      %swap3A_275 = tpu.vector_load %arg13[%swap3A_274] masked %ge3A_265 {strides = array<i32>} : memref<1024xi32, #tpu.memory_space<vmem>>, vector<16xi32>, vector<16xi1>
      tpu.vector_store %arg13[%swap3A_274], %add3A_273 masked %ge3A_265 {strides = array<i32>} : memref<1024xi32, #tpu.memory_space<vmem>>, vector<16xi32>, vector<16xi1>
      %convert_element_type3A_276 = arith.extui %ge3A_265 : vector<16xi1> to vector<16xi32>
      %reduce_sum3A_277 = arith.constant true
      %reduce_sum3A_278 = vector.broadcast %reduce_sum3A_277 : i1 to vector<16xi1>
      %reduce_sum3A_279 = tpu.scan <sum>, %convert_element_type3A_276 masked %reduce_sum3A_278 : vector<16xi32>, vector<16xi1> -> vector<16xi32>
      %reduce_sum3A_280 = vector.extract %reduce_sum3A_279[15] : i32 from vector<16xi32>
      %add3A_281 = arith.addi %add3A_261, %reduce_sum3A_280 : i32
      %get3A_282 = arith.index_cast %while3A_133 : i32 to index
      %get3A_283 = arith.constant 112 : index
      %get3A_284 = tpu.vector_load %arg11[%get3A_282, %get3A_283] {strides = array<i32>} : memref<512x128xf32, #tpu.memory_space<vmem>>, vector<16xf32>,
      %ge3A_285 = arith.cmpf oge, %get3A_284, %get3A_36 : vector<16xf32>
      %min3A_286 = arith.constant 1008 : i32
      %min3A_287 = arith.minsi %add3A_281, %min3A_286 : i32
      %swap3A_288 = arith.index_cast %min3A_287 : i32 to index
      %swap3A_289 = tpu.vector_load %arg12[%swap3A_288] masked %ge3A_285 {strides = array<i32>} : memref<1024xf32, #tpu.memory_space<vmem>>, vector<16xf32>, vector<16xi1>
      tpu.vector_store %arg12[%swap3A_288], %get3A_284 masked %ge3A_285 {strides = array<i32>} : memref<1024xf32, #tpu.memory_space<vmem>>, vector<16xf32>, vector<16xi1>
      %add3A_290 = arith.constant 112 : i32
      %add3A_291 = vector.broadcast %add3A_290 : i32 to vector<16xi32>
      %add3A_292 = arith.addi %mul3A_145, %add3A_291 : vector<16xi32>
      %add3A_293 = arith.addi %add3A_292, %iota3A : vector<16xi32>
      %swap3A_294 = arith.index_cast %min3A_287 : i32 to index
      %swap3A_295 = tpu.vector_load %arg13[%swap3A_294] masked %ge3A_285 {strides = array<i32>} : memref<1024xi32, #tpu.memory_space<vmem>>, vector<16xi32>, vector<16xi1>
      tpu.vector_store %arg13[%swap3A_294], %add3A_293 masked %ge3A_285 {strides = array<i32>} : memref<1024xi32, #tpu.memory_space<vmem>>, vector<16xi32>, vector<16xi1>
      %convert_element_type3A_296 = arith.extui %ge3A_285 : vector<16xi1> to vector<16xi32>
      %reduce_sum3A_297 = arith.constant true
      %reduce_sum3A_298 = vector.broadcast %reduce_sum3A_297 : i1 to vector<16xi1>
      %reduce_sum3A_299 = tpu.scan <sum>, %convert_element_type3A_296 masked %reduce_sum3A_298 : vector<16xi32>, vector<16xi1> -> vector<16xi32>
      %reduce_sum3A_300 = vector.extract %reduce_sum3A_299[15] : i32 from vector<16xi32>
      %add3A_301 = arith.addi %add3A_281, %reduce_sum3A_300 : i32
      scf.yield %add3A_301 : i32
    }
    %while3A_119 = arith.constant 1 : i32
    %while3A_120 = scf.for %while3A_133 = %while3A_116 to %while3A_112 step %while3A_119 iter_args(%while3A_134 = %while3A_118) -> (i32)  : i32 {
      %broadcast_in_dim3A_135 = arith.constant 0 : i32
      %broadcast_in_dim3A_136 = vector.broadcast %broadcast_in_dim3A_135 : i32 to vector<16xi32>
      %add3A_137 = vector.broadcast %while3A_133 : i32 to vector<16xi32>
      %add3A_138 = arith.addi %broadcast_in_dim3A_136, %add3A_137 : vector<16xi32>
      %gather3A = tpu.vector_load_idx %arg10[%add3A_138] : memref<512xi32, #tpu.memory_space<vmem>>[vector<16xi32>], vector<16xi32>,
      %mul3A_139 = arith.constant 12500 : i32
      %mul3A_140 = arith.muli %select_n3A, %mul3A_139 : i32
      %sub3A_141 = vector.broadcast %mul3A_140 : i32 to vector<16xi32>
      %sub3A_142 = arith.subi %gather3A, %sub3A_141 : vector<16xi32>
      %mul3A_143 = arith.constant 128 : i32
      %mul3A_144 = vector.broadcast %mul3A_143 : i32 to vector<16xi32>
      %mul3A_145 = arith.muli %sub3A_142, %mul3A_144 : vector<16xi32>
      %get3A_146 = arith.index_cast %while3A_133 : i32 to index
      %get3A_147 = arith.constant 0 : index
      %get3A_148 = tpu.vector_load %arg11[%get3A_146, %get3A_147] {strides = array<i32>} : memref<512x128xf32, #tpu.memory_space<vmem>>, vector<16xf32>,
      %ge3A = arith.cmpf oge, %get3A_148, %get3A_36 : vector<16xf32>
      %min3A = arith.constant 1008 : i32
      %min3A_149 = arith.minsi %while3A_134, %min3A : i32
      %swap3A_150 = arith.index_cast %min3A_149 : i32 to index
      %swap3A_151 = tpu.vector_load %arg12[%swap3A_150] masked %ge3A {strides = array<i32>} : memref<1024xf32, #tpu.memory_space<vmem>>, vector<16xf32>, vector<16xi1>
      tpu.vector_store %arg12[%swap3A_150], %get3A_148 masked %ge3A {strides = array<i32>} : memref<1024xf32, #tpu.memory_space<vmem>>, vector<16xf32>, vector<16xi1>
      %add3A_152 = arith.constant 0 : i32
      %add3A_153 = vector.broadcast %add3A_152 : i32 to vector<16xi32>
      %add3A_154 = arith.addi %mul3A_145, %add3A_153 : vector<16xi32>
      %add3A_155 = arith.addi %add3A_154, %iota3A : vector<16xi32>
      %swap3A_156 = arith.index_cast %min3A_149 : i32 to index
      %swap3A_157 = tpu.vector_load %arg13[%swap3A_156] masked %ge3A {strides = array<i32>} : memref<1024xi32, #tpu.memory_space<vmem>>, vector<16xi32>, vector<16xi1>
      tpu.vector_store %arg13[%swap3A_156], %add3A_155 masked %ge3A {strides = array<i32>} : memref<1024xi32, #tpu.memory_space<vmem>>, vector<16xi32>, vector<16xi1>
      %convert_element_type3A = arith.extui %ge3A : vector<16xi1> to vector<16xi32>
      %reduce_sum3A = arith.constant true
      %reduce_sum3A_158 = vector.broadcast %reduce_sum3A : i1 to vector<16xi1>
      %reduce_sum3A_159 = tpu.scan <sum>, %convert_element_type3A masked %reduce_sum3A_158 : vector<16xi32>, vector<16xi1> -> vector<16xi32>
      %reduce_sum3A_160 = vector.extract %reduce_sum3A_159[15] : i32 from vector<16xi32>
      %add3A_161 = arith.addi %while3A_134, %reduce_sum3A_160 : i32
      %get3A_162 = arith.index_cast %while3A_133 : i32 to index
      %get3A_163 = arith.constant 16 : index
      %get3A_164 = tpu.vector_load %arg11[%get3A_162, %get3A_163] {strides = array<i32>} : memref<512x128xf32, #tpu.memory_space<vmem>>, vector<16xf32>,
      %ge3A_165 = arith.cmpf oge, %get3A_164, %get3A_36 : vector<16xf32>
      %min3A_166 = arith.constant 1008 : i32
      %min3A_167 = arith.minsi %add3A_161, %min3A_166 : i32
      %swap3A_168 = arith.index_cast %min3A_167 : i32 to index
      %swap3A_169 = tpu.vector_load %arg12[%swap3A_168] masked %ge3A_165 {strides = array<i32>} : memref<1024xf32, #tpu.memory_space<vmem>>, vector<16xf32>, vector<16xi1>
      tpu.vector_store %arg12[%swap3A_168], %get3A_164 masked %ge3A_165 {strides = array<i32>} : memref<1024xf32, #tpu.memory_space<vmem>>, vector<16xf32>, vector<16xi1>
      %add3A_170 = arith.constant 16 : i32
      %add3A_171 = vector.broadcast %add3A_170 : i32 to vector<16xi32>
      %add3A_172 = arith.addi %mul3A_145, %add3A_171 : vector<16xi32>
      %add3A_173 = arith.addi %add3A_172, %iota3A : vector<16xi32>
      %swap3A_174 = arith.index_cast %min3A_167 : i32 to index
      %swap3A_175 = tpu.vector_load %arg13[%swap3A_174] masked %ge3A_165 {strides = array<i32>} : memref<1024xi32, #tpu.memory_space<vmem>>, vector<16xi32>, vector<16xi1>
      tpu.vector_store %arg13[%swap3A_174], %add3A_173 masked %ge3A_165 {strides = array<i32>} : memref<1024xi32, #tpu.memory_space<vmem>>, vector<16xi32>, vector<16xi1>
      %convert_element_type3A_176 = arith.extui %ge3A_165 : vector<16xi1> to vector<16xi32>
      %reduce_sum3A_177 = arith.constant true
      %reduce_sum3A_178 = vector.broadcast %reduce_sum3A_177 : i1 to vector<16xi1>
      %reduce_sum3A_179 = tpu.scan <sum>, %convert_element_type3A_176 masked %reduce_sum3A_178 : vector<16xi32>, vector<16xi1> -> vector<16xi32>
      %reduce_sum3A_180 = vector.extract %reduce_sum3A_179[15] : i32 from vector<16xi32>
      %add3A_181 = arith.addi %add3A_161, %reduce_sum3A_180 : i32
      %get3A_182 = arith.index_cast %while3A_133 : i32 to index
      %get3A_183 = arith.constant 32 : index
      %get3A_184 = tpu.vector_load %arg11[%get3A_182, %get3A_183] {strides = array<i32>} : memref<512x128xf32, #tpu.memory_space<vmem>>, vector<16xf32>,
      %ge3A_185 = arith.cmpf oge, %get3A_184, %get3A_36 : vector<16xf32>
      %min3A_186 = arith.constant 1008 : i32
      %min3A_187 = arith.minsi %add3A_181, %min3A_186 : i32
      %swap3A_188 = arith.index_cast %min3A_187 : i32 to index
      %swap3A_189 = tpu.vector_load %arg12[%swap3A_188] masked %ge3A_185 {strides = array<i32>} : memref<1024xf32, #tpu.memory_space<vmem>>, vector<16xf32>, vector<16xi1>
      tpu.vector_store %arg12[%swap3A_188], %get3A_184 masked %ge3A_185 {strides = array<i32>} : memref<1024xf32, #tpu.memory_space<vmem>>, vector<16xf32>, vector<16xi1>
      %add3A_190 = arith.constant 32 : i32
      %add3A_191 = vector.broadcast %add3A_190 : i32 to vector<16xi32>
      %add3A_192 = arith.addi %mul3A_145, %add3A_191 : vector<16xi32>
      %add3A_193 = arith.addi %add3A_192, %iota3A : vector<16xi32>
      %swap3A_194 = arith.index_cast %min3A_187 : i32 to index
      %swap3A_195 = tpu.vector_load %arg13[%swap3A_194] masked %ge3A_185 {strides = array<i32>} : memref<1024xi32, #tpu.memory_space<vmem>>, vector<16xi32>, vector<16xi1>
      tpu.vector_store %arg13[%swap3A_194], %add3A_193 masked %ge3A_185 {strides = array<i32>} : memref<1024xi32, #tpu.memory_space<vmem>>, vector<16xi32>, vector<16xi1>
      %convert_element_type3A_196 = arith.extui %ge3A_185 : vector<16xi1> to vector<16xi32>
      %reduce_sum3A_197 = arith.constant true
      %reduce_sum3A_198 = vector.broadcast %reduce_sum3A_197 : i1 to vector<16xi1>
      %reduce_sum3A_199 = tpu.scan <sum>, %convert_element_type3A_196 masked %reduce_sum3A_198 : vector<16xi32>, vector<16xi1> -> vector<16xi32>
      %reduce_sum3A_200 = vector.extract %reduce_sum3A_199[15] : i32 from vector<16xi32>
      %add3A_201 = arith.addi %add3A_181, %reduce_sum3A_200 : i32
      %get3A_202 = arith.index_cast %while3A_133 : i32 to index
      %get3A_203 = arith.constant 48 : index
      %get3A_204 = tpu.vector_load %arg11[%get3A_202, %get3A_203] {strides = array<i32>} : memref<512x128xf32, #tpu.memory_space<vmem>>, vector<16xf32>,
      %ge3A_205 = arith.cmpf oge, %get3A_204, %get3A_36 : vector<16xf32>
      %min3A_206 = arith.constant 1008 : i32
      %min3A_207 = arith.minsi %add3A_201, %min3A_206 : i32
      %swap3A_208 = arith.index_cast %min3A_207 : i32 to index
      %swap3A_209 = tpu.vector_load %arg12[%swap3A_208] masked %ge3A_205 {strides = array<i32>} : memref<1024xf32, #tpu.memory_space<vmem>>, vector<16xf32>, vector<16xi1>
      tpu.vector_store %arg12[%swap3A_208], %get3A_204 masked %ge3A_205 {strides = array<i32>} : memref<1024xf32, #tpu.memory_space<vmem>>, vector<16xf32>, vector<16xi1>
      %add3A_210 = arith.constant 48 : i32
      %add3A_211 = vector.broadcast %add3A_210 : i32 to vector<16xi32>
      %add3A_212 = arith.addi %mul3A_145, %add3A_211 : vector<16xi32>
      %add3A_213 = arith.addi %add3A_212, %iota3A : vector<16xi32>
      %swap3A_214 = arith.index_cast %min3A_207 : i32 to index
      %swap3A_215 = tpu.vector_load %arg13[%swap3A_214] masked %ge3A_205 {strides = array<i32>} : memref<1024xi32, #tpu.memory_space<vmem>>, vector<16xi32>, vector<16xi1>
      tpu.vector_store %arg13[%swap3A_214], %add3A_213 masked %ge3A_205 {strides = array<i32>} : memref<1024xi32, #tpu.memory_space<vmem>>, vector<16xi32>, vector<16xi1>
      %convert_element_type3A_216 = arith.extui %ge3A_205 : vector<16xi1> to vector<16xi32>
      %reduce_sum3A_217 = arith.constant true
      %reduce_sum3A_218 = vector.broadcast %reduce_sum3A_217 : i1 to vector<16xi1>
      %reduce_sum3A_219 = tpu.scan <sum>, %convert_element_type3A_216 masked %reduce_sum3A_218 : vector<16xi32>, vector<16xi1> -> vector<16xi32>
      %reduce_sum3A_220 = vector.extract %reduce_sum3A_219[15] : i32 from vector<16xi32>
      %add3A_221 = arith.addi %add3A_201, %reduce_sum3A_220 : i32
      %get3A_222 = arith.index_cast %while3A_133 : i32 to index
      %get3A_223 = arith.constant 64 : index
      %get3A_224 = tpu.vector_load %arg11[%get3A_222, %get3A_223] {strides = array<i32>} : memref<512x128xf32, #tpu.memory_space<vmem>>, vector<16xf32>,
      %ge3A_225 = arith.cmpf oge, %get3A_224, %get3A_36 : vector<16xf32>
      %min3A_226 = arith.constant 1008 : i32
      %min3A_227 = arith.minsi %add3A_221, %min3A_226 : i32
      %swap3A_228 = arith.index_cast %min3A_227 : i32 to index
      %swap3A_229 = tpu.vector_load %arg12[%swap3A_228] masked %ge3A_225 {strides = array<i32>} : memref<1024xf32, #tpu.memory_space<vmem>>, vector<16xf32>, vector<16xi1>
      tpu.vector_store %arg12[%swap3A_228], %get3A_224 masked %ge3A_225 {strides = array<i32>} : memref<1024xf32, #tpu.memory_space<vmem>>, vector<16xf32>, vector<16xi1>
      %add3A_230 = arith.constant 64 : i32
      %add3A_231 = vector.broadcast %add3A_230 : i32 to vector<16xi32>
      %add3A_232 = arith.addi %mul3A_145, %add3A_231 : vector<16xi32>
      %add3A_233 = arith.addi %add3A_232, %iota3A : vector<16xi32>
      %swap3A_234 = arith.index_cast %min3A_227 : i32 to index
      %swap3A_235 = tpu.vector_load %arg13[%swap3A_234] masked %ge3A_225 {strides = array<i32>} : memref<1024xi32, #tpu.memory_space<vmem>>, vector<16xi32>, vector<16xi1>
      tpu.vector_store %arg13[%swap3A_234], %add3A_233 masked %ge3A_225 {strides = array<i32>} : memref<1024xi32, #tpu.memory_space<vmem>>, vector<16xi32>, vector<16xi1>
      %convert_element_type3A_236 = arith.extui %ge3A_225 : vector<16xi1> to vector<16xi32>
      %reduce_sum3A_237 = arith.constant true
      %reduce_sum3A_238 = vector.broadcast %reduce_sum3A_237 : i1 to vector<16xi1>
      %reduce_sum3A_239 = tpu.scan <sum>, %convert_element_type3A_236 masked %reduce_sum3A_238 : vector<16xi32>, vector<16xi1> -> vector<16xi32>
      %reduce_sum3A_240 = vector.extract %reduce_sum3A_239[15] : i32 from vector<16xi32>
      %add3A_241 = arith.addi %add3A_221, %reduce_sum3A_240 : i32
      %get3A_242 = arith.index_cast %while3A_133 : i32 to index
      %get3A_243 = arith.constant 80 : index
      %get3A_244 = tpu.vector_load %arg11[%get3A_242, %get3A_243] {strides = array<i32>} : memref<512x128xf32, #tpu.memory_space<vmem>>, vector<16xf32>,
      %ge3A_245 = arith.cmpf oge, %get3A_244, %get3A_36 : vector<16xf32>
      %min3A_246 = arith.constant 1008 : i32
      %min3A_247 = arith.minsi %add3A_241, %min3A_246 : i32
      %swap3A_248 = arith.index_cast %min3A_247 : i32 to index
      %swap3A_249 = tpu.vector_load %arg12[%swap3A_248] masked %ge3A_245 {strides = array<i32>} : memref<1024xf32, #tpu.memory_space<vmem>>, vector<16xf32>, vector<16xi1>
      tpu.vector_store %arg12[%swap3A_248], %get3A_244 masked %ge3A_245 {strides = array<i32>} : memref<1024xf32, #tpu.memory_space<vmem>>, vector<16xf32>, vector<16xi1>
      %add3A_250 = arith.constant 80 : i32
      %add3A_251 = vector.broadcast %add3A_250 : i32 to vector<16xi32>
      %add3A_252 = arith.addi %mul3A_145, %add3A_251 : vector<16xi32>
      %add3A_253 = arith.addi %add3A_252, %iota3A : vector<16xi32>
      %swap3A_254 = arith.index_cast %min3A_247 : i32 to index
      %swap3A_255 = tpu.vector_load %arg13[%swap3A_254] masked %ge3A_245 {strides = array<i32>} : memref<1024xi32, #tpu.memory_space<vmem>>, vector<16xi32>, vector<16xi1>
      tpu.vector_store %arg13[%swap3A_254], %add3A_253 masked %ge3A_245 {strides = array<i32>} : memref<1024xi32, #tpu.memory_space<vmem>>, vector<16xi32>, vector<16xi1>
      %convert_element_type3A_256 = arith.extui %ge3A_245 : vector<16xi1> to vector<16xi32>
      %reduce_sum3A_257 = arith.constant true
      %reduce_sum3A_258 = vector.broadcast %reduce_sum3A_257 : i1 to vector<16xi1>
      %reduce_sum3A_259 = tpu.scan <sum>, %convert_element_type3A_256 masked %reduce_sum3A_258 : vector<16xi32>, vector<16xi1> -> vector<16xi32>
      %reduce_sum3A_260 = vector.extract %reduce_sum3A_259[15] : i32 from vector<16xi32>
      %add3A_261 = arith.addi %add3A_241, %reduce_sum3A_260 : i32
      %get3A_262 = arith.index_cast %while3A_133 : i32 to index
      %get3A_263 = arith.constant 96 : index
      %get3A_264 = tpu.vector_load %arg11[%get3A_262, %get3A_263] {strides = array<i32>} : memref<512x128xf32, #tpu.memory_space<vmem>>, vector<16xf32>,
      %ge3A_265 = arith.cmpf oge, %get3A_264, %get3A_36 : vector<16xf32>
      %min3A_266 = arith.constant 1008 : i32
      %min3A_267 = arith.minsi %add3A_261, %min3A_266 : i32
      %swap3A_268 = arith.index_cast %min3A_267 : i32 to index
      %swap3A_269 = tpu.vector_load %arg12[%swap3A_268] masked %ge3A_265 {strides = array<i32>} : memref<1024xf32, #tpu.memory_space<vmem>>, vector<16xf32>, vector<16xi1>
      tpu.vector_store %arg12[%swap3A_268], %get3A_264 masked %ge3A_265 {strides = array<i32>} : memref<1024xf32, #tpu.memory_space<vmem>>, vector<16xf32>, vector<16xi1>
      %add3A_270 = arith.constant 96 : i32
      %add3A_271 = vector.broadcast %add3A_270 : i32 to vector<16xi32>
      %add3A_272 = arith.addi %mul3A_145, %add3A_271 : vector<16xi32>
      %add3A_273 = arith.addi %add3A_272, %iota3A : vector<16xi32>
      %swap3A_274 = arith.index_cast %min3A_267 : i32 to index
      %swap3A_275 = tpu.vector_load %arg13[%swap3A_274] masked %ge3A_265 {strides = array<i32>} : memref<1024xi32, #tpu.memory_space<vmem>>, vector<16xi32>, vector<16xi1>
      tpu.vector_store %arg13[%swap3A_274], %add3A_273 masked %ge3A_265 {strides = array<i32>} : memref<1024xi32, #tpu.memory_space<vmem>>, vector<16xi32>, vector<16xi1>
      %convert_element_type3A_276 = arith.extui %ge3A_265 : vector<16xi1> to vector<16xi32>
      %reduce_sum3A_277 = arith.constant true
      %reduce_sum3A_278 = vector.broadcast %reduce_sum3A_277 : i1 to vector<16xi1>
      %reduce_sum3A_279 = tpu.scan <sum>, %convert_element_type3A_276 masked %reduce_sum3A_278 : vector<16xi32>, vector<16xi1> -> vector<16xi32>
      %reduce_sum3A_280 = vector.extract %reduce_sum3A_279[15] : i32 from vector<16xi32>
      %add3A_281 = arith.addi %add3A_261, %reduce_sum3A_280 : i32
      %get3A_282 = arith.index_cast %while3A_133 : i32 to index
      %get3A_283 = arith.constant 112 : index
      %get3A_284 = tpu.vector_load %arg11[%get3A_282, %get3A_283] {strides = array<i32>} : memref<512x128xf32, #tpu.memory_space<vmem>>, vector<16xf32>,
      %ge3A_285 = arith.cmpf oge, %get3A_284, %get3A_36 : vector<16xf32>
      %min3A_286 = arith.constant 1008 : i32
      %min3A_287 = arith.minsi %add3A_281, %min3A_286 : i32
      %swap3A_288 = arith.index_cast %min3A_287 : i32 to index
      %swap3A_289 = tpu.vector_load %arg12[%swap3A_288] masked %ge3A_285 {strides = array<i32>} : memref<1024xf32, #tpu.memory_space<vmem>>, vector<16xf32>, vector<16xi1>
      tpu.vector_store %arg12[%swap3A_288], %get3A_284 masked %ge3A_285 {strides = array<i32>} : memref<1024xf32, #tpu.memory_space<vmem>>, vector<16xf32>, vector<16xi1>
      %add3A_290 = arith.constant 112 : i32
      %add3A_291 = vector.broadcast %add3A_290 : i32 to vector<16xi32>
      %add3A_292 = arith.addi %mul3A_145, %add3A_291 : vector<16xi32>
      %add3A_293 = arith.addi %add3A_292, %iota3A : vector<16xi32>
      %swap3A_294 = arith.index_cast %min3A_287 : i32 to index
      %swap3A_295 = tpu.vector_load %arg13[%swap3A_294] masked %ge3A_285 {strides = array<i32>} : memref<1024xi32, #tpu.memory_space<vmem>>, vector<16xi32>, vector<16xi1>
      tpu.vector_store %arg13[%swap3A_294], %add3A_293 masked %ge3A_285 {strides = array<i32>} : memref<1024xi32, #tpu.memory_space<vmem>>, vector<16xi32>, vector<16xi1>
      %convert_element_type3A_296 = arith.extui %ge3A_285 : vector<16xi1> to vector<16xi32>
      %reduce_sum3A_297 = arith.constant true
      %reduce_sum3A_298 = vector.broadcast %reduce_sum3A_297 : i1 to vector<16xi1>
      %reduce_sum3A_299 = tpu.scan <sum>, %convert_element_type3A_296 masked %reduce_sum3A_298 : vector<16xi32>, vector<16xi1> -> vector<16xi32>
      %reduce_sum3A_300 = vector.extract %reduce_sum3A_299[15] : i32 from vector<16xi32>
      %add3A_301 = arith.addi %add3A_281, %reduce_sum3A_300 : i32
      scf.yield %add3A_301 : i32
    }
    %eq3A_121 = arith.constant 0 : i32
    %eq3A_122 = vector.broadcast %eq3A_121 : i32 to vector<16xi32>
    %eq3A_123 = arith.cmpi eq, %iota3A, %eq3A_122 : vector<16xi32>
    %eq3A_124 = arith.constant 1 : i32
    %eq3A_125 = vector.broadcast %eq3A_124 : i32 to vector<16xi32>
    %eq3A_126 = arith.cmpi eq, %iota3A, %eq3A_125 : vector<16xi32>
    %jit3A_127 = arith.constant 0 : i32
    %broadcast_in_dim3A = vector.broadcast %while3A_120 : i32 to vector<16xi32>
    %broadcast_in_dim3A_128 = vector.broadcast %jit3A_127 : i32 to vector<16xi32>
    %select_n3A_129 = arith.select %eq3A_126, %broadcast_in_dim3A, %broadcast_in_dim3A_128 : vector<16xi1>, vector<16xi32>
    %broadcast_in_dim3A_130 = vector.broadcast %scan3A_46 : i32 to vector<16xi32>
    %select_n3A_131 = arith.select %eq3A_123, %broadcast_in_dim3A_130, %select_n3A_129 : vector<16xi1>, vector<16xi32>
    %swap3A = arith.constant 0 : index
    %swap3A_132 = tpu.vector_load %arg14[%swap3A] {strides = array<i32>} : memref<16xi32, #tpu.memory_space<vmem>>, vector<16xi32>,
    tpu.vector_store %arg14[%swap3A], %select_n3A_131 {strides = array<i32>} : memref<16xi32, #tpu.memory_space<vmem>>, vector<16xi32>,
    "tpu.region"() ({
      %run_scoped3A = tpu.sem_alloc : memref<!tpu.dma_semaphore, #tpu.memory_space<semaphore_mem>>
      %dma_start3A_133 = arith.constant 0 : i32
      %dma_start3A_134 = tpu.memref_slice %arg5[%add3A, %dma_start3A_133] : memref<32x1024xf32, #tpu.memory_space<hbm>> -> memref<1x1024xf32, #tpu.memory_space<hbm>>
      %dma_start3A_135 = tpu.memref_squeeze %dma_start3A_134 : memref<1x1024xf32, #tpu.memory_space<hbm>> -> memref<1024xf32, #tpu.memory_space<hbm>>
      %dma_start3A_136 = arith.constant 0 : i32
      %dma_start3A_137 = tpu.memref_slice %arg5[%add3A, %dma_start3A_136] : memref<32x1024xf32, #tpu.memory_space<hbm>> -> memref<1x1024xf32, #tpu.memory_space<hbm>>
      %dma_start3A_138 = tpu.memref_squeeze %dma_start3A_137 : memref<1x1024xf32, #tpu.memory_space<hbm>> -> memref<1024xf32, #tpu.memory_space<hbm>>
      tpu.enqueue_dma source(%arg12 : memref<1024xf32, #tpu.memory_space<vmem>>) target(%dma_start3A_138 : memref<1024xf32, #tpu.memory_space<hbm>>) target_semaphore(%run_scoped3A : memref<!tpu.dma_semaphore, #tpu.memory_space<semaphore_mem>>)
      %dma_wait3A_139 = arith.constant 0 : i32
      %dma_wait3A_140 = tpu.memref_slice %arg5[%add3A, %dma_wait3A_139] : memref<32x1024xf32, #tpu.memory_space<hbm>> -> memref<1x1024xf32, #tpu.memory_space<hbm>>
      %dma_wait3A_141 = tpu.memref_squeeze %dma_wait3A_140 : memref<1x1024xf32, #tpu.memory_space<hbm>> -> memref<1024xf32, #tpu.memory_space<hbm>>
      %dma_wait3A_142 = arith.constant 0 : i32
      %dma_wait3A_143 = tpu.memref_slice %arg5[%add3A, %dma_wait3A_142] : memref<32x1024xf32, #tpu.memory_space<hbm>> -> memref<1x1024xf32, #tpu.memory_space<hbm>>
      %dma_wait3A_144 = tpu.memref_squeeze %dma_wait3A_143 : memref<1x1024xf32, #tpu.memory_space<hbm>> -> memref<1024xf32, #tpu.memory_space<hbm>>
      tpu.wait_dma2 semaphore(%run_scoped3A : memref<!tpu.dma_semaphore, #tpu.memory_space<semaphore_mem>>) src(%arg12 : memref<1024xf32, #tpu.memory_space<vmem>>) dst(%dma_wait3A_144 : memref<1024xf32, #tpu.memory_space<hbm>>)
      tpu.yield
    }) : () -> ()
    "tpu.region"() ({
      %run_scoped3A = tpu.sem_alloc : memref<!tpu.dma_semaphore, #tpu.memory_space<semaphore_mem>>
      %dma_start3A_133 = arith.constant 0 : i32
      %dma_start3A_134 = tpu.memref_slice %arg6[%add3A, %dma_start3A_133] : memref<32x1024xi32, #tpu.memory_space<hbm>> -> memref<1x1024xi32, #tpu.memory_space<hbm>>
      %dma_start3A_135 = tpu.memref_squeeze %dma_start3A_134 : memref<1x1024xi32, #tpu.memory_space<hbm>> -> memref<1024xi32, #tpu.memory_space<hbm>>
      %dma_start3A_136 = arith.constant 0 : i32
      %dma_start3A_137 = tpu.memref_slice %arg6[%add3A, %dma_start3A_136] : memref<32x1024xi32, #tpu.memory_space<hbm>> -> memref<1x1024xi32, #tpu.memory_space<hbm>>
      %dma_start3A_138 = tpu.memref_squeeze %dma_start3A_137 : memref<1x1024xi32, #tpu.memory_space<hbm>> -> memref<1024xi32, #tpu.memory_space<hbm>>
      tpu.enqueue_dma source(%arg13 : memref<1024xi32, #tpu.memory_space<vmem>>) target(%dma_start3A_138 : memref<1024xi32, #tpu.memory_space<hbm>>) target_semaphore(%run_scoped3A : memref<!tpu.dma_semaphore, #tpu.memory_space<semaphore_mem>>)
      %dma_wait3A_139 = arith.constant 0 : i32
      %dma_wait3A_140 = tpu.memref_slice %arg6[%add3A, %dma_wait3A_139] : memref<32x1024xi32, #tpu.memory_space<hbm>> -> memref<1x1024xi32, #tpu.memory_space<hbm>>
      %dma_wait3A_141 = tpu.memref_squeeze %dma_wait3A_140 : memref<1x1024xi32, #tpu.memory_space<hbm>> -> memref<1024xi32, #tpu.memory_space<hbm>>
      %dma_wait3A_142 = arith.constant 0 : i32
      %dma_wait3A_143 = tpu.memref_slice %arg6[%add3A, %dma_wait3A_142] : memref<32x1024xi32, #tpu.memory_space<hbm>> -> memref<1x1024xi32, #tpu.memory_space<hbm>>
      %dma_wait3A_144 = tpu.memref_squeeze %dma_wait3A_143 : memref<1x1024xi32, #tpu.memory_space<hbm>> -> memref<1024xi32, #tpu.memory_space<hbm>>
      tpu.wait_dma2 semaphore(%run_scoped3A : memref<!tpu.dma_semaphore, #tpu.memory_space<semaphore_mem>>) src(%arg13 : memref<1024xi32, #tpu.memory_space<vmem>>) dst(%dma_wait3A_144 : memref<1024xi32, #tpu.memory_space<hbm>>)
      tpu.yield
    }) : () -> ()
    "tpu.region"() ({
      %run_scoped3A = tpu.sem_alloc : memref<!tpu.dma_semaphore, #tpu.memory_space<semaphore_mem>>
      %dma_start3A_133 = arith.constant 0 : i32
      %dma_start3A_134 = tpu.memref_slice %arg7[%add3A, %dma_start3A_133] : memref<32x16xi32, #tpu.memory_space<hbm>> -> memref<1x16xi32, #tpu.memory_space<hbm>>
      %dma_start3A_135 = tpu.memref_squeeze %dma_start3A_134 : memref<1x16xi32, #tpu.memory_space<hbm>> -> memref<16xi32, #tpu.memory_space<hbm>>
      %dma_start3A_136 = arith.constant 0 : i32
      %dma_start3A_137 = tpu.memref_slice %arg7[%add3A, %dma_start3A_136] : memref<32x16xi32, #tpu.memory_space<hbm>> -> memref<1x16xi32, #tpu.memory_space<hbm>>
      %dma_start3A_138 = tpu.memref_squeeze %dma_start3A_137 : memref<1x16xi32, #tpu.memory_space<hbm>> -> memref<16xi32, #tpu.memory_space<hbm>>
      tpu.enqueue_dma source(%arg14 : memref<16xi32, #tpu.memory_space<vmem>>) target(%dma_start3A_138 : memref<16xi32, #tpu.memory_space<hbm>>) target_semaphore(%run_scoped3A : memref<!tpu.dma_semaphore, #tpu.memory_space<semaphore_mem>>)
      %dma_wait3A_139 = arith.constant 0 : i32
      %dma_wait3A_140 = tpu.memref_slice %arg7[%add3A, %dma_wait3A_139] : memref<32x16xi32, #tpu.memory_space<hbm>> -> memref<1x16xi32, #tpu.memory_space<hbm>>
      %dma_wait3A_141 = tpu.memref_squeeze %dma_wait3A_140 : memref<1x16xi32, #tpu.memory_space<hbm>> -> memref<16xi32, #tpu.memory_space<hbm>>
      %dma_wait3A_142 = arith.constant 0 : i32
      %dma_wait3A_143 = tpu.memref_slice %arg7[%add3A, %dma_wait3A_142] : memref<32x16xi32, #tpu.memory_space<hbm>> -> memref<1x16xi32, #tpu.memory_space<hbm>>
      %dma_wait3A_144 = tpu.memref_squeeze %dma_wait3A_143 : memref<1x16xi32, #tpu.memory_space<hbm>> -> memref<16xi32, #tpu.memory_space<hbm>>
      tpu.wait_dma2 semaphore(%run_scoped3A : memref<!tpu.dma_semaphore, #tpu.memory_space<semaphore_mem>>) src(%arg14 : memref<16xi32, #tpu.memory_space<vmem>>) dst(%dma_wait3A_144 : memref<16xi32, #tpu.memory_space<hbm>>)
      tpu.yield
    }) : () -> ()
    return
  }
}

module attributes {stable_mosaic.version = 14 : i64} {
  func.func @_stage1_body(%arg0: i32, %arg1: memref<1x12500x128xf32, #tpu.memory_space<vmem>>, %arg2: memref<1x1x12544xf32, #tpu.memory_space<vmem>>, %arg3: memref<1x1x16xf32, #tpu.memory_space<vmem>>) attributes {dimension_semantics = [#tpu.dimension_semantics<arbitrary>], iteration_bounds = array<i64: 16>, scalar_prefetch = 0 : i64, scratch_operands = 0 : i64, tpu.core_type = #tpu.core_type<tc>, window_params = [{transform_indices = @transform_0, window_bounds = array<i64: 1, 12500, 128>}, {transform_indices = @transform_1, window_bounds = array<i64: 1, 1, 12544>}, {transform_indices = @transform_2, window_bounds = array<i64: 1, 1, 16>}]} {
    %get3A = arith.constant 0 : index
    %get3A_0 = arith.constant 0 : index
    %get3A_1 = arith.constant 0 : index
    %get3A_2 = vector.load %arg1[%get3A, %get3A_0, %get3A_1] : memref<1x12500x128xf32, #tpu.memory_space<vmem>>, vector<1x12500x128xf32>
    %get3A_3 = vector.shape_cast %get3A_2 : vector<1x12500x128xf32> to vector<12500x128xf32>
    %reduce_max3A = arith.constant dense<0xFF800000> : vector<12500xf32>
    %reduce_max3A_4 = vector.multi_reduction <maximumf>, %get3A_3, %reduce_max3A [1] : vector<12500x128xf32> to vector<12500xf32>
    %swap3A = arith.constant 0 : index
    %swap3A_5 = arith.constant 0 : index
    %swap3A_6 = arith.constant 0 : index
    %swap3A_7 = vector.load %arg2[%swap3A, %swap3A_5, %swap3A_6] : memref<1x1x12544xf32, #tpu.memory_space<vmem>>, vector<1x1x12500xf32>
    %swap3A_8 = vector.shape_cast %swap3A_7 : vector<1x1x12500xf32> to vector<12500xf32>
    %swap3A_9 = vector.shape_cast %reduce_max3A_4 : vector<12500xf32> to vector<1x1x12500xf32>
    tpu.vector_store %arg2[%swap3A, %swap3A_5, %swap3A_6], %swap3A_9 {strides = array<i32>} : memref<1x1x12544xf32, #tpu.memory_space<vmem>>, vector<1x1x12500xf32>,
    %bitcast_convert_type3A = tpu.bitcast %reduce_max3A_4 : vector<12500xf32> -> vector<12500xi32>
    %shift_right_arithmetic3A = arith.constant 31 : i32
    %shift_right_arithmetic3A_10 = vector.broadcast %shift_right_arithmetic3A : i32 to vector<12500xi32>
    %shift_right_arithmetic3A_11 = arith.shrsi %bitcast_convert_type3A, %shift_right_arithmetic3A_10 : vector<12500xi32>
    %and3A = arith.constant 2147483647 : i32
    %and3A_12 = vector.broadcast %and3A : i32 to vector<12500xi32>
    %and3A_13 = arith.andi %shift_right_arithmetic3A_11, %and3A_12 : vector<12500xi32>
    %xor3A = arith.xori %bitcast_convert_type3A, %and3A_13 : vector<12500xi32>
    %scan3A = arith.constant -2147483648 : i32
    %scan3A_14 = arith.constant 0 : i32
    %scan3A_15 = arith.constant 0 : i32
    %scan3A_16 = arith.constant 32 : i32
    %scan3A_17 = arith.addi %scan3A_15, %scan3A_16 : i32
    %scan3A_18 = arith.constant 1 : i32
    %scan3A_19 = scf.for %scan3A_36 = %scan3A_15 to %scan3A_17 step %scan3A_18 iter_args(%scan3A_37 = %scan3A_14) -> (i32)  : i32 {
      %sub3A_38 = arith.constant 31 : i32
      %sub3A_39 = arith.subi %sub3A_38, %scan3A_36 : i32
      %shift_left3A = arith.constant 1 : i32
      %shift_left3A_40 = arith.shli %shift_left3A, %sub3A_39 : i32
      %or3A = arith.ori %scan3A_37, %shift_left3A_40 : i32
      %xor3A_41 = arith.xori %or3A, %scan3A : i32
      %ge3A = vector.broadcast %xor3A_41 : i32 to vector<12500xi32>
      %ge3A_42 = arith.cmpi sge, %xor3A, %ge3A : vector<12500xi32>
      %convert_element_type3A = arith.extui %ge3A_42 : vector<12500xi1> to vector<12500xi32>
      %reduce_sum3A = vector.shape_cast %convert_element_type3A : vector<12500xi32> to vector<1x12500xi32>
      %reduce_sum3A_43 = arith.constant dense<0> : vector<1xi32>
      %reduce_sum3A_44 = vector.multi_reduction <add>, %reduce_sum3A, %reduce_sum3A_43 [1] : vector<1x12500xi32> to vector<1xi32>
      %reduce_sum3A_45 = vector.shape_cast %reduce_sum3A_44 : vector<1xi32> to vector<1x1xi32>
      %reduce_sum3A_46 = vector.extract %reduce_sum3A_45[0, 0] : i32 from vector<1x1xi32>
      %ge3A_47 = arith.constant 300 : i32
      %ge3A_48 = arith.cmpi sge, %reduce_sum3A_46, %ge3A_47 : i32
      %select_n3A = arith.select %ge3A_48, %or3A, %scan3A_37 : i32
      scf.yield %select_n3A : i32
    }
    %scan3A_20 = arith.constant 32 : i32
    %xor3A_21 = arith.constant -2147483648 : i32
    %xor3A_22 = arith.xori %scan3A_19, %xor3A_21 : i32
    %shift_right_arithmetic3A_23 = arith.constant 31 : i32
    %shift_right_arithmetic3A_24 = arith.shrsi %xor3A_22, %shift_right_arithmetic3A_23 : i32
    %and3A_25 = arith.constant 2147483647 : i32
    %and3A_26 = arith.andi %shift_right_arithmetic3A_24, %and3A_25 : i32
    %xor3A_27 = arith.xori %xor3A_22, %and3A_26 : i32
    %bitcast_convert_type3A_28 = arith.bitcast %xor3A_27 : i32 to f32
    %sub3A = arith.constant 0.00999999977 : f32
    %sub3A_29 = arith.subf %bitcast_convert_type3A_28, %sub3A : f32
    %broadcast_in_dim3A = vector.broadcast %sub3A_29 : f32 to vector<16xf32>
    %swap3A_30 = arith.constant 0 : index
    %swap3A_31 = arith.constant 0 : index
    %swap3A_32 = arith.constant 0 : index
    %swap3A_33 = vector.load %arg3[%swap3A_30, %swap3A_31, %swap3A_32] : memref<1x1x16xf32, #tpu.memory_space<vmem>>, vector<1x1x16xf32>
    %swap3A_34 = vector.shape_cast %swap3A_33 : vector<1x1x16xf32> to vector<16xf32>
    %swap3A_35 = vector.shape_cast %broadcast_in_dim3A : vector<16xf32> to vector<1x1x16xf32>
    tpu.vector_store %arg3[%swap3A_30, %swap3A_31, %swap3A_32], %swap3A_35 {strides = array<i32>} : memref<1x1x16xf32, #tpu.memory_space<vmem>>, vector<1x1x16xf32>,
    return
  }
  func.func @transform_0(%arg0: i32) -> (i32, i32, i32) {
    %c0_i32 = arith.constant 0 : i32
    %c0_i32_0 = arith.constant 0 : i32
    %c0_i32_1 = arith.constant 0 : i32
    return %arg0, %c0_i32, %c0_i32_0 : i32, i32, i32
  }
  func.func @transform_1(%arg0: i32) -> (i32, i32, i32) {
    %c0_i32 = arith.constant 0 : i32
    %c0_i32_0 = arith.constant 0 : i32
    %c0_i32_1 = arith.constant 0 : i32
    return %arg0, %c0_i32, %c0_i32_0 : i32, i32, i32
  }
  func.func @transform_2(%arg0: i32) -> (i32, i32, i32) {
    %c0_i32 = arith.constant 0 : i32
    %c0_i32_0 = arith.constant 0 : i32
    %c0_i32_1 = arith.constant 0 : i32
    return %arg0, %c0_i32, %c0_i32_0 : i32, i32, i32
  }
}

module attributes {stable_mosaic.version = 14 : i64} {
  func.func @_rank_body(%arg0: i32, %arg1: memref<1x1x2048xf32, #tpu.memory_space<vmem>>, %arg2: memref<1x1x2048xi32, #tpu.memory_space<vmem>>, %arg3: memref<1x1x300xi32, #tpu.memory_space<vmem>>, %arg4: memref<1x1x300xi32, #tpu.memory_space<vmem>>, %arg5: memref<1x1x300xf32, #tpu.memory_space<vmem>>) attributes {dimension_semantics = [#tpu.dimension_semantics<arbitrary>], iteration_bounds = array<i64: 16>, scalar_prefetch = 0 : i64, scratch_operands = 0 : i64, tpu.core_type = #tpu.core_type<tc>, window_params = [{transform_indices = @transform_0, window_bounds = array<i64: 1, 1, 2048>}, {transform_indices = @transform_1, window_bounds = array<i64: 1, 1, 2048>}, {transform_indices = @transform_2, window_bounds = array<i64: 1, 1, 300>}, {transform_indices = @transform_3, window_bounds = array<i64: 1, 1, 300>}, {transform_indices = @transform_4, window_bounds = array<i64: 1, 1, 300>}]} {
    %get3A = arith.constant 0 : index
    %get3A_0 = arith.constant 0 : index
    %get3A_1 = arith.constant 0 : index
    %get3A_2 = vector.load %arg1[%get3A, %get3A_0, %get3A_1] : memref<1x1x2048xf32, #tpu.memory_space<vmem>>, vector<1x1x2048xf32>
    %get3A_3 = vector.shape_cast %get3A_2 : vector<1x1x2048xf32> to vector<1x2048xf32>
    %get3A_4 = arith.constant 0 : index
    %get3A_5 = arith.constant 0 : index
    %get3A_6 = arith.constant 0 : index
    %get3A_7 = vector.load %arg2[%get3A_4, %get3A_5, %get3A_6] : memref<1x1x2048xi32, #tpu.memory_space<vmem>>, vector<1x1x2048xi32>
    %get3A_8 = vector.shape_cast %get3A_7 : vector<1x1x2048xi32> to vector<1x2048xi32>
    %convert_element_type3A = arith.sitofp %get3A_8 : vector<1x2048xi32> to vector<1x2048xf32>
    %bitcast_convert_type3A = tpu.bitcast %get3A_3 : vector<1x2048xf32> -> vector<1x2048xi32>
    %scan3A = arith.constant 0 : i32
    %scan3A_9 = arith.constant 0 : i32
    %scan3A_10 = arith.constant 31 : i32
    %scan3A_11 = arith.addi %scan3A_9, %scan3A_10 : i32
    %scan3A_12 = arith.constant 1 : i32
    %scan3A_13 = scf.for %scan3A_412 = %scan3A_9 to %scan3A_11 step %scan3A_12 iter_args(%scan3A_413 = %scan3A) -> (i32)  : i32 {
      %sub3A_414 = arith.constant 30 : i32
      %sub3A_415 = arith.subi %sub3A_414, %scan3A_412 : i32
      %shift_left3A = arith.constant 1 : i32
      %shift_left3A_416 = arith.shli %shift_left3A, %sub3A_415 : i32
      %or3A_417 = arith.ori %scan3A_413, %shift_left3A_416 : i32
      %ge3A_418 = vector.broadcast %or3A_417 : i32 to vector<1x2048xi32>
      %ge3A_419 = arith.cmpi sge, %bitcast_convert_type3A, %ge3A_418 : vector<1x2048xi32>
      %convert_element_type3A_420 = arith.extui %ge3A_419 : vector<1x2048xi1> to vector<1x2048xi32>
      %reduce_sum3A_421 = vector.shape_cast %convert_element_type3A_420 : vector<1x2048xi32> to vector<1x1x2048xi32>
      %reduce_sum3A_422 = arith.constant dense<0> : vector<1xi32>
      %reduce_sum3A_423 = vector.multi_reduction <add>, %reduce_sum3A_421, %reduce_sum3A_422 [1, 2] : vector<1x1x2048xi32> to vector<1xi32>
      %reduce_sum3A_424 = vector.shape_cast %reduce_sum3A_423 : vector<1xi32> to vector<1x1x1xi32>
      %reduce_sum3A_425 = vector.extract %reduce_sum3A_424[0, 0, 0] : i32 from vector<1x1x1xi32>
      %ge3A_426 = arith.constant 300 : i32
      %ge3A_427 = arith.cmpi sge, %reduce_sum3A_425, %ge3A_426 : i32
      %select_n3A_428 = arith.select %ge3A_427, %or3A_417, %scan3A_413 : i32
      scf.yield %select_n3A_428 : i32
    }
    %scan3A_14 = arith.constant 31 : i32
    %ge3A = vector.broadcast %scan3A_13 : i32 to vector<1x2048xi32>
    %ge3A_15 = arith.cmpi sge, %bitcast_convert_type3A, %ge3A : vector<1x2048xi32>
    %convert_element_type3A_16 = arith.extui %ge3A_15 : vector<1x2048xi1> to vector<1x2048xi32>
    %broadcast_in_dim3A = arith.constant 0 : i32
    %broadcast_in_dim3A_17 = vector.broadcast %broadcast_in_dim3A : i32 to vector<1x1xi32>
    %slice3A = vector.extract_strided_slice %convert_element_type3A_16 {offsets = [0, 0], sizes = [1, 2047], strides = [1, 1]} : vector<1x2048xi32> to vector<1x2047xi32>
    %concatenate3A = tpu.concatenate %broadcast_in_dim3A_17, %slice3A in 1 : vector<1x1xi32>, vector<1x2047xi32> -> vector<1x2048xi32>
    %add3A = arith.addi %convert_element_type3A_16, %concatenate3A : vector<1x2048xi32>
    %broadcast_in_dim3A_18 = arith.constant 0 : i32
    %broadcast_in_dim3A_19 = vector.broadcast %broadcast_in_dim3A_18 : i32 to vector<1x2xi32>
    %slice3A_20 = vector.extract_strided_slice %add3A {offsets = [0, 0], sizes = [1, 2046], strides = [1, 1]} : vector<1x2048xi32> to vector<1x2046xi32>
    %concatenate3A_21 = tpu.concatenate %broadcast_in_dim3A_19, %slice3A_20 in 1 : vector<1x2xi32>, vector<1x2046xi32> -> vector<1x2048xi32>
    %add3A_22 = arith.addi %add3A, %concatenate3A_21 : vector<1x2048xi32>
    %broadcast_in_dim3A_23 = arith.constant 0 : i32
    %broadcast_in_dim3A_24 = vector.broadcast %broadcast_in_dim3A_23 : i32 to vector<1x4xi32>
    %slice3A_25 = vector.extract_strided_slice %add3A_22 {offsets = [0, 0], sizes = [1, 2044], strides = [1, 1]} : vector<1x2048xi32> to vector<1x2044xi32>
    %concatenate3A_26 = tpu.concatenate %broadcast_in_dim3A_24, %slice3A_25 in 1 : vector<1x4xi32>, vector<1x2044xi32> -> vector<1x2048xi32>
    %add3A_27 = arith.addi %add3A_22, %concatenate3A_26 : vector<1x2048xi32>
    %broadcast_in_dim3A_28 = arith.constant 0 : i32
    %broadcast_in_dim3A_29 = vector.broadcast %broadcast_in_dim3A_28 : i32 to vector<1x8xi32>
    %slice3A_30 = vector.extract_strided_slice %add3A_27 {offsets = [0, 0], sizes = [1, 2040], strides = [1, 1]} : vector<1x2048xi32> to vector<1x2040xi32>
    %concatenate3A_31 = tpu.concatenate %broadcast_in_dim3A_29, %slice3A_30 in 1 : vector<1x8xi32>, vector<1x2040xi32> -> vector<1x2048xi32>
    %add3A_32 = arith.addi %add3A_27, %concatenate3A_31 : vector<1x2048xi32>
    %broadcast_in_dim3A_33 = arith.constant 0 : i32
    %broadcast_in_dim3A_34 = vector.broadcast %broadcast_in_dim3A_33 : i32 to vector<1x16xi32>
    %slice3A_35 = vector.extract_strided_slice %add3A_32 {offsets = [0, 0], sizes = [1, 2032], strides = [1, 1]} : vector<1x2048xi32> to vector<1x2032xi32>
    %concatenate3A_36 = tpu.concatenate %broadcast_in_dim3A_34, %slice3A_35 in 1 : vector<1x16xi32>, vector<1x2032xi32> -> vector<1x2048xi32>
    %add3A_37 = arith.addi %add3A_32, %concatenate3A_36 : vector<1x2048xi32>
    %broadcast_in_dim3A_38 = arith.constant 0 : i32
    %broadcast_in_dim3A_39 = vector.broadcast %broadcast_in_dim3A_38 : i32 to vector<1x32xi32>
    %slice3A_40 = vector.extract_strided_slice %add3A_37 {offsets = [0, 0], sizes = [1, 2016], strides = [1, 1]} : vector<1x2048xi32> to vector<1x2016xi32>
    %concatenate3A_41 = tpu.concatenate %broadcast_in_dim3A_39, %slice3A_40 in 1 : vector<1x32xi32>, vector<1x2016xi32> -> vector<1x2048xi32>
    %add3A_42 = arith.addi %add3A_37, %concatenate3A_41 : vector<1x2048xi32>
    %broadcast_in_dim3A_43 = arith.constant 0 : i32
    %broadcast_in_dim3A_44 = vector.broadcast %broadcast_in_dim3A_43 : i32 to vector<1x64xi32>
    %slice3A_45 = vector.extract_strided_slice %add3A_42 {offsets = [0, 0], sizes = [1, 1984], strides = [1, 1]} : vector<1x2048xi32> to vector<1x1984xi32>
    %concatenate3A_46 = tpu.concatenate %broadcast_in_dim3A_44, %slice3A_45 in 1 : vector<1x64xi32>, vector<1x1984xi32> -> vector<1x2048xi32>
    %add3A_47 = arith.addi %add3A_42, %concatenate3A_46 : vector<1x2048xi32>
    %broadcast_in_dim3A_48 = arith.constant 0 : i32
    %broadcast_in_dim3A_49 = vector.broadcast %broadcast_in_dim3A_48 : i32 to vector<1x128xi32>
    %slice3A_50 = vector.extract_strided_slice %add3A_47 {offsets = [0, 0], sizes = [1, 1920], strides = [1, 1]} : vector<1x2048xi32> to vector<1x1920xi32>
    %concatenate3A_51 = tpu.concatenate %broadcast_in_dim3A_49, %slice3A_50 in 1 : vector<1x128xi32>, vector<1x1920xi32> -> vector<1x2048xi32>
    %add3A_52 = arith.addi %add3A_47, %concatenate3A_51 : vector<1x2048xi32>
    %broadcast_in_dim3A_53 = arith.constant 0 : i32
    %broadcast_in_dim3A_54 = vector.broadcast %broadcast_in_dim3A_53 : i32 to vector<1x256xi32>
    %slice3A_55 = vector.extract_strided_slice %add3A_52 {offsets = [0, 0], sizes = [1, 1792], strides = [1, 1]} : vector<1x2048xi32> to vector<1x1792xi32>
    %concatenate3A_56 = tpu.concatenate %broadcast_in_dim3A_54, %slice3A_55 in 1 : vector<1x256xi32>, vector<1x1792xi32> -> vector<1x2048xi32>
    %add3A_57 = arith.addi %add3A_52, %concatenate3A_56 : vector<1x2048xi32>
    %broadcast_in_dim3A_58 = arith.constant 0 : i32
    %broadcast_in_dim3A_59 = vector.broadcast %broadcast_in_dim3A_58 : i32 to vector<1x512xi32>
    %slice3A_60 = vector.extract_strided_slice %add3A_57 {offsets = [0, 0], sizes = [1, 1536], strides = [1, 1]} : vector<1x2048xi32> to vector<1x1536xi32>
    %concatenate3A_61 = tpu.concatenate %broadcast_in_dim3A_59, %slice3A_60 in 1 : vector<1x512xi32>, vector<1x1536xi32> -> vector<1x2048xi32>
    %add3A_62 = arith.addi %add3A_57, %concatenate3A_61 : vector<1x2048xi32>
    %broadcast_in_dim3A_63 = arith.constant 0 : i32
    %broadcast_in_dim3A_64 = vector.broadcast %broadcast_in_dim3A_63 : i32 to vector<1x1024xi32>
    %slice3A_65 = vector.extract_strided_slice %add3A_62 {offsets = [0, 0], sizes = [1, 1024], strides = [1, 1]} : vector<1x2048xi32> to vector<1x1024xi32>
    %concatenate3A_66 = tpu.concatenate %broadcast_in_dim3A_64, %slice3A_65 in 1 : vector<1x1024xi32>, vector<1x1024xi32> -> vector<1x2048xi32>
    %add3A_67 = arith.addi %add3A_62, %concatenate3A_66 : vector<1x2048xi32>
    %sub3A = arith.subi %add3A_67, %convert_element_type3A_16 : vector<1x2048xi32>
    %reduce_sum3A = vector.shape_cast %convert_element_type3A_16 : vector<1x2048xi32> to vector<1x1x2048xi32>
    %reduce_sum3A_68 = arith.constant dense<0> : vector<1xi32>
    %reduce_sum3A_69 = vector.multi_reduction <add>, %reduce_sum3A, %reduce_sum3A_68 [1, 2] : vector<1x1x2048xi32> to vector<1xi32>
    %reduce_sum3A_70 = vector.shape_cast %reduce_sum3A_69 : vector<1xi32> to vector<1x1x1xi32>
    %reduce_sum3A_71 = vector.extract %reduce_sum3A_70[0, 0, 0] : i32 from vector<1x1x1xi32>
    %iota3A = tpu.iota {dimensions = array<i32: 0>} : vector<512x256xi32>
    %broadcast_in_dim3A_72 = arith.constant 0.000000e+00 : f32
    %broadcast_in_dim3A_73 = vector.broadcast %broadcast_in_dim3A_72 : f32 to vector<512x1xf32>
    %broadcast_in_dim3A_74 = arith.constant 0.000000e+00 : f32
    %broadcast_in_dim3A_75 = vector.broadcast %broadcast_in_dim3A_74 : f32 to vector<512x1xf32>
    %slice3A_76 = vector.extract_strided_slice %sub3A {offsets = [0, 0], sizes = [1, 256], strides = [1, 1]} : vector<1x2048xi32> to vector<1x256xi32>
    %eq3A = vector.broadcast %slice3A_76 : vector<1x256xi32> to vector<512x256xi32>
    %eq3A_77 = arith.cmpi eq, %eq3A, %iota3A : vector<512x256xi32>
    %slice3A_78 = vector.extract_strided_slice %ge3A_15 {offsets = [0, 0], sizes = [1, 256], strides = [1, 1]} : vector<1x2048xi1> to vector<1x256xi1>
    %and3A = vector.broadcast %slice3A_78 : vector<1x256xi1> to vector<512x256xi1>
    %and3A_79 = arith.andi %eq3A_77, %and3A : vector<512x256xi1>
    %jit3A = arith.constant 1.000000e+00 : f32
    %jit3A_80 = arith.constant 0.000000e+00 : f32
    %broadcast_in_dim3A_81 = vector.broadcast %jit3A : f32 to vector<512x256xf32>
    %broadcast_in_dim3A_82 = vector.broadcast %jit3A_80 : f32 to vector<512x256xf32>
    %select_n3A = arith.select %and3A_79, %broadcast_in_dim3A_81, %broadcast_in_dim3A_82 : vector<512x256xi1>, vector<512x256xf32>
    %slice3A_83 = vector.extract_strided_slice %get3A_3 {offsets = [0, 0], sizes = [1, 256], strides = [1, 1]} : vector<1x2048xf32> to vector<1x256xf32>
    %mul3A = vector.broadcast %slice3A_83 : vector<1x256xf32> to vector<512x256xf32>
    %mul3A_84 = arith.mulf %select_n3A, %mul3A : vector<512x256xf32>
    %reduce_sum3A_85 = arith.constant dense<0.000000e+00> : vector<512xf32>
    %reduce_sum3A_86 = vector.multi_reduction <add>, %mul3A_84, %reduce_sum3A_85 [1] : vector<512x256xf32> to vector<512xf32>
    %broadcast_in_dim3A_87 = vector.shape_cast %reduce_sum3A_86 : vector<512xf32> to vector<512x1xf32>
    %add3A_88 = arith.addf %broadcast_in_dim3A_73, %broadcast_in_dim3A_87 : vector<512x1xf32>
    %slice3A_89 = vector.extract_strided_slice %convert_element_type3A {offsets = [0, 0], sizes = [1, 256], strides = [1, 1]} : vector<1x2048xf32> to vector<1x256xf32>
    %mul3A_90 = vector.broadcast %slice3A_89 : vector<1x256xf32> to vector<512x256xf32>
    %mul3A_91 = arith.mulf %select_n3A, %mul3A_90 : vector<512x256xf32>
    %reduce_sum3A_92 = arith.constant dense<0.000000e+00> : vector<512xf32>
    %reduce_sum3A_93 = vector.multi_reduction <add>, %mul3A_91, %reduce_sum3A_92 [1] : vector<512x256xf32> to vector<512xf32>
    %broadcast_in_dim3A_94 = vector.shape_cast %reduce_sum3A_93 : vector<512xf32> to vector<512x1xf32>
    %add3A_95 = arith.addf %broadcast_in_dim3A_75, %broadcast_in_dim3A_94 : vector<512x1xf32>
    %slice3A_96 = vector.extract_strided_slice %sub3A {offsets = [0, 256], sizes = [1, 256], strides = [1, 1]} : vector<1x2048xi32> to vector<1x256xi32>
    %eq3A_97 = vector.broadcast %slice3A_96 : vector<1x256xi32> to vector<512x256xi32>
    %eq3A_98 = arith.cmpi eq, %eq3A_97, %iota3A : vector<512x256xi32>
    %slice3A_99 = vector.extract_strided_slice %ge3A_15 {offsets = [0, 256], sizes = [1, 256], strides = [1, 1]} : vector<1x2048xi1> to vector<1x256xi1>
    %and3A_100 = vector.broadcast %slice3A_99 : vector<1x256xi1> to vector<512x256xi1>
    %and3A_101 = arith.andi %eq3A_98, %and3A_100 : vector<512x256xi1>
    %jit3A_102 = arith.constant 1.000000e+00 : f32
    %jit3A_103 = arith.constant 0.000000e+00 : f32
    %broadcast_in_dim3A_104 = vector.broadcast %jit3A_102 : f32 to vector<512x256xf32>
    %broadcast_in_dim3A_105 = vector.broadcast %jit3A_103 : f32 to vector<512x256xf32>
    %select_n3A_106 = arith.select %and3A_101, %broadcast_in_dim3A_104, %broadcast_in_dim3A_105 : vector<512x256xi1>, vector<512x256xf32>
    %slice3A_107 = vector.extract_strided_slice %get3A_3 {offsets = [0, 256], sizes = [1, 256], strides = [1, 1]} : vector<1x2048xf32> to vector<1x256xf32>
    %mul3A_108 = vector.broadcast %slice3A_107 : vector<1x256xf32> to vector<512x256xf32>
    %mul3A_109 = arith.mulf %select_n3A_106, %mul3A_108 : vector<512x256xf32>
    %reduce_sum3A_110 = arith.constant dense<0.000000e+00> : vector<512xf32>
    %reduce_sum3A_111 = vector.multi_reduction <add>, %mul3A_109, %reduce_sum3A_110 [1] : vector<512x256xf32> to vector<512xf32>
    %broadcast_in_dim3A_112 = vector.shape_cast %reduce_sum3A_111 : vector<512xf32> to vector<512x1xf32>
    %add3A_113 = arith.addf %add3A_88, %broadcast_in_dim3A_112 : vector<512x1xf32>
    %slice3A_114 = vector.extract_strided_slice %convert_element_type3A {offsets = [0, 256], sizes = [1, 256], strides = [1, 1]} : vector<1x2048xf32> to vector<1x256xf32>
    %mul3A_115 = vector.broadcast %slice3A_114 : vector<1x256xf32> to vector<512x256xf32>
    %mul3A_116 = arith.mulf %select_n3A_106, %mul3A_115 : vector<512x256xf32>
    %reduce_sum3A_117 = arith.constant dense<0.000000e+00> : vector<512xf32>
    %reduce_sum3A_118 = vector.multi_reduction <add>, %mul3A_116, %reduce_sum3A_117 [1] : vector<512x256xf32> to vector<512xf32>
    %broadcast_in_dim3A_119 = vector.shape_cast %reduce_sum3A_118 : vector<512xf32> to vector<512x1xf32>
    %add3A_120 = arith.addf %add3A_95, %broadcast_in_dim3A_119 : vector<512x1xf32>
    %slice3A_121 = vector.extract_strided_slice %sub3A {offsets = [0, 512], sizes = [1, 256], strides = [1, 1]} : vector<1x2048xi32> to vector<1x256xi32>
    %eq3A_122 = vector.broadcast %slice3A_121 : vector<1x256xi32> to vector<512x256xi32>
    %eq3A_123 = arith.cmpi eq, %eq3A_122, %iota3A : vector<512x256xi32>
    %slice3A_124 = vector.extract_strided_slice %ge3A_15 {offsets = [0, 512], sizes = [1, 256], strides = [1, 1]} : vector<1x2048xi1> to vector<1x256xi1>
    %and3A_125 = vector.broadcast %slice3A_124 : vector<1x256xi1> to vector<512x256xi1>
    %and3A_126 = arith.andi %eq3A_123, %and3A_125 : vector<512x256xi1>
    %jit3A_127 = arith.constant 1.000000e+00 : f32
    %jit3A_128 = arith.constant 0.000000e+00 : f32
    %broadcast_in_dim3A_129 = vector.broadcast %jit3A_127 : f32 to vector<512x256xf32>
    %broadcast_in_dim3A_130 = vector.broadcast %jit3A_128 : f32 to vector<512x256xf32>
    %select_n3A_131 = arith.select %and3A_126, %broadcast_in_dim3A_129, %broadcast_in_dim3A_130 : vector<512x256xi1>, vector<512x256xf32>
    %slice3A_132 = vector.extract_strided_slice %get3A_3 {offsets = [0, 512], sizes = [1, 256], strides = [1, 1]} : vector<1x2048xf32> to vector<1x256xf32>
    %mul3A_133 = vector.broadcast %slice3A_132 : vector<1x256xf32> to vector<512x256xf32>
    %mul3A_134 = arith.mulf %select_n3A_131, %mul3A_133 : vector<512x256xf32>
    %reduce_sum3A_135 = arith.constant dense<0.000000e+00> : vector<512xf32>
    %reduce_sum3A_136 = vector.multi_reduction <add>, %mul3A_134, %reduce_sum3A_135 [1] : vector<512x256xf32> to vector<512xf32>
    %broadcast_in_dim3A_137 = vector.shape_cast %reduce_sum3A_136 : vector<512xf32> to vector<512x1xf32>
    %add3A_138 = arith.addf %add3A_113, %broadcast_in_dim3A_137 : vector<512x1xf32>
    %slice3A_139 = vector.extract_strided_slice %convert_element_type3A {offsets = [0, 512], sizes = [1, 256], strides = [1, 1]} : vector<1x2048xf32> to vector<1x256xf32>
    %mul3A_140 = vector.broadcast %slice3A_139 : vector<1x256xf32> to vector<512x256xf32>
    %mul3A_141 = arith.mulf %select_n3A_131, %mul3A_140 : vector<512x256xf32>
    %reduce_sum3A_142 = arith.constant dense<0.000000e+00> : vector<512xf32>
    %reduce_sum3A_143 = vector.multi_reduction <add>, %mul3A_141, %reduce_sum3A_142 [1] : vector<512x256xf32> to vector<512xf32>
    %broadcast_in_dim3A_144 = vector.shape_cast %reduce_sum3A_143 : vector<512xf32> to vector<512x1xf32>
    %add3A_145 = arith.addf %add3A_120, %broadcast_in_dim3A_144 : vector<512x1xf32>
    %slice3A_146 = vector.extract_strided_slice %sub3A {offsets = [0, 768], sizes = [1, 256], strides = [1, 1]} : vector<1x2048xi32> to vector<1x256xi32>
    %eq3A_147 = vector.broadcast %slice3A_146 : vector<1x256xi32> to vector<512x256xi32>
    %eq3A_148 = arith.cmpi eq, %eq3A_147, %iota3A : vector<512x256xi32>
    %slice3A_149 = vector.extract_strided_slice %ge3A_15 {offsets = [0, 768], sizes = [1, 256], strides = [1, 1]} : vector<1x2048xi1> to vector<1x256xi1>
    %and3A_150 = vector.broadcast %slice3A_149 : vector<1x256xi1> to vector<512x256xi1>
    %and3A_151 = arith.andi %eq3A_148, %and3A_150 : vector<512x256xi1>
    %jit3A_152 = arith.constant 1.000000e+00 : f32
    %jit3A_153 = arith.constant 0.000000e+00 : f32
    %broadcast_in_dim3A_154 = vector.broadcast %jit3A_152 : f32 to vector<512x256xf32>
    %broadcast_in_dim3A_155 = vector.broadcast %jit3A_153 : f32 to vector<512x256xf32>
    %select_n3A_156 = arith.select %and3A_151, %broadcast_in_dim3A_154, %broadcast_in_dim3A_155 : vector<512x256xi1>, vector<512x256xf32>
    %slice3A_157 = vector.extract_strided_slice %get3A_3 {offsets = [0, 768], sizes = [1, 256], strides = [1, 1]} : vector<1x2048xf32> to vector<1x256xf32>
    %mul3A_158 = vector.broadcast %slice3A_157 : vector<1x256xf32> to vector<512x256xf32>
    %mul3A_159 = arith.mulf %select_n3A_156, %mul3A_158 : vector<512x256xf32>
    %reduce_sum3A_160 = arith.constant dense<0.000000e+00> : vector<512xf32>
    %reduce_sum3A_161 = vector.multi_reduction <add>, %mul3A_159, %reduce_sum3A_160 [1] : vector<512x256xf32> to vector<512xf32>
    %broadcast_in_dim3A_162 = vector.shape_cast %reduce_sum3A_161 : vector<512xf32> to vector<512x1xf32>
    %add3A_163 = arith.addf %add3A_138, %broadcast_in_dim3A_162 : vector<512x1xf32>
    %slice3A_164 = vector.extract_strided_slice %convert_element_type3A {offsets = [0, 768], sizes = [1, 256], strides = [1, 1]} : vector<1x2048xf32> to vector<1x256xf32>
    %mul3A_165 = vector.broadcast %slice3A_164 : vector<1x256xf32> to vector<512x256xf32>
    %mul3A_166 = arith.mulf %select_n3A_156, %mul3A_165 : vector<512x256xf32>
    %reduce_sum3A_167 = arith.constant dense<0.000000e+00> : vector<512xf32>
    %reduce_sum3A_168 = vector.multi_reduction <add>, %mul3A_166, %reduce_sum3A_167 [1] : vector<512x256xf32> to vector<512xf32>
    %broadcast_in_dim3A_169 = vector.shape_cast %reduce_sum3A_168 : vector<512xf32> to vector<512x1xf32>
    %add3A_170 = arith.addf %add3A_145, %broadcast_in_dim3A_169 : vector<512x1xf32>
    %slice3A_171 = vector.extract_strided_slice %sub3A {offsets = [0, 1024], sizes = [1, 256], strides = [1, 1]} : vector<1x2048xi32> to vector<1x256xi32>
    %eq3A_172 = vector.broadcast %slice3A_171 : vector<1x256xi32> to vector<512x256xi32>
    %eq3A_173 = arith.cmpi eq, %eq3A_172, %iota3A : vector<512x256xi32>
    %slice3A_174 = vector.extract_strided_slice %ge3A_15 {offsets = [0, 1024], sizes = [1, 256], strides = [1, 1]} : vector<1x2048xi1> to vector<1x256xi1>
    %and3A_175 = vector.broadcast %slice3A_174 : vector<1x256xi1> to vector<512x256xi1>
    %and3A_176 = arith.andi %eq3A_173, %and3A_175 : vector<512x256xi1>
    %jit3A_177 = arith.constant 1.000000e+00 : f32
    %jit3A_178 = arith.constant 0.000000e+00 : f32
    %broadcast_in_dim3A_179 = vector.broadcast %jit3A_177 : f32 to vector<512x256xf32>
    %broadcast_in_dim3A_180 = vector.broadcast %jit3A_178 : f32 to vector<512x256xf32>
    %select_n3A_181 = arith.select %and3A_176, %broadcast_in_dim3A_179, %broadcast_in_dim3A_180 : vector<512x256xi1>, vector<512x256xf32>
    %slice3A_182 = vector.extract_strided_slice %get3A_3 {offsets = [0, 1024], sizes = [1, 256], strides = [1, 1]} : vector<1x2048xf32> to vector<1x256xf32>
    %mul3A_183 = vector.broadcast %slice3A_182 : vector<1x256xf32> to vector<512x256xf32>
    %mul3A_184 = arith.mulf %select_n3A_181, %mul3A_183 : vector<512x256xf32>
    %reduce_sum3A_185 = arith.constant dense<0.000000e+00> : vector<512xf32>
    %reduce_sum3A_186 = vector.multi_reduction <add>, %mul3A_184, %reduce_sum3A_185 [1] : vector<512x256xf32> to vector<512xf32>
    %broadcast_in_dim3A_187 = vector.shape_cast %reduce_sum3A_186 : vector<512xf32> to vector<512x1xf32>
    %add3A_188 = arith.addf %add3A_163, %broadcast_in_dim3A_187 : vector<512x1xf32>
    %slice3A_189 = vector.extract_strided_slice %convert_element_type3A {offsets = [0, 1024], sizes = [1, 256], strides = [1, 1]} : vector<1x2048xf32> to vector<1x256xf32>
    %mul3A_190 = vector.broadcast %slice3A_189 : vector<1x256xf32> to vector<512x256xf32>
    %mul3A_191 = arith.mulf %select_n3A_181, %mul3A_190 : vector<512x256xf32>
    %reduce_sum3A_192 = arith.constant dense<0.000000e+00> : vector<512xf32>
    %reduce_sum3A_193 = vector.multi_reduction <add>, %mul3A_191, %reduce_sum3A_192 [1] : vector<512x256xf32> to vector<512xf32>
    %broadcast_in_dim3A_194 = vector.shape_cast %reduce_sum3A_193 : vector<512xf32> to vector<512x1xf32>
    %add3A_195 = arith.addf %add3A_170, %broadcast_in_dim3A_194 : vector<512x1xf32>
    %slice3A_196 = vector.extract_strided_slice %sub3A {offsets = [0, 1280], sizes = [1, 256], strides = [1, 1]} : vector<1x2048xi32> to vector<1x256xi32>
    %eq3A_197 = vector.broadcast %slice3A_196 : vector<1x256xi32> to vector<512x256xi32>
    %eq3A_198 = arith.cmpi eq, %eq3A_197, %iota3A : vector<512x256xi32>
    %slice3A_199 = vector.extract_strided_slice %ge3A_15 {offsets = [0, 1280], sizes = [1, 256], strides = [1, 1]} : vector<1x2048xi1> to vector<1x256xi1>
    %and3A_200 = vector.broadcast %slice3A_199 : vector<1x256xi1> to vector<512x256xi1>
    %and3A_201 = arith.andi %eq3A_198, %and3A_200 : vector<512x256xi1>
    %jit3A_202 = arith.constant 1.000000e+00 : f32
    %jit3A_203 = arith.constant 0.000000e+00 : f32
    %broadcast_in_dim3A_204 = vector.broadcast %jit3A_202 : f32 to vector<512x256xf32>
    %broadcast_in_dim3A_205 = vector.broadcast %jit3A_203 : f32 to vector<512x256xf32>
    %select_n3A_206 = arith.select %and3A_201, %broadcast_in_dim3A_204, %broadcast_in_dim3A_205 : vector<512x256xi1>, vector<512x256xf32>
    %slice3A_207 = vector.extract_strided_slice %get3A_3 {offsets = [0, 1280], sizes = [1, 256], strides = [1, 1]} : vector<1x2048xf32> to vector<1x256xf32>
    %mul3A_208 = vector.broadcast %slice3A_207 : vector<1x256xf32> to vector<512x256xf32>
    %mul3A_209 = arith.mulf %select_n3A_206, %mul3A_208 : vector<512x256xf32>
    %reduce_sum3A_210 = arith.constant dense<0.000000e+00> : vector<512xf32>
    %reduce_sum3A_211 = vector.multi_reduction <add>, %mul3A_209, %reduce_sum3A_210 [1] : vector<512x256xf32> to vector<512xf32>
    %broadcast_in_dim3A_212 = vector.shape_cast %reduce_sum3A_211 : vector<512xf32> to vector<512x1xf32>
    %add3A_213 = arith.addf %add3A_188, %broadcast_in_dim3A_212 : vector<512x1xf32>
    %slice3A_214 = vector.extract_strided_slice %convert_element_type3A {offsets = [0, 1280], sizes = [1, 256], strides = [1, 1]} : vector<1x2048xf32> to vector<1x256xf32>
    %mul3A_215 = vector.broadcast %slice3A_214 : vector<1x256xf32> to vector<512x256xf32>
    %mul3A_216 = arith.mulf %select_n3A_206, %mul3A_215 : vector<512x256xf32>
    %reduce_sum3A_217 = arith.constant dense<0.000000e+00> : vector<512xf32>
    %reduce_sum3A_218 = vector.multi_reduction <add>, %mul3A_216, %reduce_sum3A_217 [1] : vector<512x256xf32> to vector<512xf32>
    %broadcast_in_dim3A_219 = vector.shape_cast %reduce_sum3A_218 : vector<512xf32> to vector<512x1xf32>
    %add3A_220 = arith.addf %add3A_195, %broadcast_in_dim3A_219 : vector<512x1xf32>
    %slice3A_221 = vector.extract_strided_slice %sub3A {offsets = [0, 1536], sizes = [1, 256], strides = [1, 1]} : vector<1x2048xi32> to vector<1x256xi32>
    %eq3A_222 = vector.broadcast %slice3A_221 : vector<1x256xi32> to vector<512x256xi32>
    %eq3A_223 = arith.cmpi eq, %eq3A_222, %iota3A : vector<512x256xi32>
    %slice3A_224 = vector.extract_strided_slice %ge3A_15 {offsets = [0, 1536], sizes = [1, 256], strides = [1, 1]} : vector<1x2048xi1> to vector<1x256xi1>
    %and3A_225 = vector.broadcast %slice3A_224 : vector<1x256xi1> to vector<512x256xi1>
    %and3A_226 = arith.andi %eq3A_223, %and3A_225 : vector<512x256xi1>
    %jit3A_227 = arith.constant 1.000000e+00 : f32
    %jit3A_228 = arith.constant 0.000000e+00 : f32
    %broadcast_in_dim3A_229 = vector.broadcast %jit3A_227 : f32 to vector<512x256xf32>
    %broadcast_in_dim3A_230 = vector.broadcast %jit3A_228 : f32 to vector<512x256xf32>
    %select_n3A_231 = arith.select %and3A_226, %broadcast_in_dim3A_229, %broadcast_in_dim3A_230 : vector<512x256xi1>, vector<512x256xf32>
    %slice3A_232 = vector.extract_strided_slice %get3A_3 {offsets = [0, 1536], sizes = [1, 256], strides = [1, 1]} : vector<1x2048xf32> to vector<1x256xf32>
    %mul3A_233 = vector.broadcast %slice3A_232 : vector<1x256xf32> to vector<512x256xf32>
    %mul3A_234 = arith.mulf %select_n3A_231, %mul3A_233 : vector<512x256xf32>
    %reduce_sum3A_235 = arith.constant dense<0.000000e+00> : vector<512xf32>
    %reduce_sum3A_236 = vector.multi_reduction <add>, %mul3A_234, %reduce_sum3A_235 [1] : vector<512x256xf32> to vector<512xf32>
    %broadcast_in_dim3A_237 = vector.shape_cast %reduce_sum3A_236 : vector<512xf32> to vector<512x1xf32>
    %add3A_238 = arith.addf %add3A_213, %broadcast_in_dim3A_237 : vector<512x1xf32>
    %slice3A_239 = vector.extract_strided_slice %convert_element_type3A {offsets = [0, 1536], sizes = [1, 256], strides = [1, 1]} : vector<1x2048xf32> to vector<1x256xf32>
    %mul3A_240 = vector.broadcast %slice3A_239 : vector<1x256xf32> to vector<512x256xf32>
    %mul3A_241 = arith.mulf %select_n3A_231, %mul3A_240 : vector<512x256xf32>
    %reduce_sum3A_242 = arith.constant dense<0.000000e+00> : vector<512xf32>
    %reduce_sum3A_243 = vector.multi_reduction <add>, %mul3A_241, %reduce_sum3A_242 [1] : vector<512x256xf32> to vector<512xf32>
    %broadcast_in_dim3A_244 = vector.shape_cast %reduce_sum3A_243 : vector<512xf32> to vector<512x1xf32>
    %add3A_245 = arith.addf %add3A_220, %broadcast_in_dim3A_244 : vector<512x1xf32>
    %slice3A_246 = vector.extract_strided_slice %sub3A {offsets = [0, 1792], sizes = [1, 256], strides = [1, 1]} : vector<1x2048xi32> to vector<1x256xi32>
    %eq3A_247 = vector.broadcast %slice3A_246 : vector<1x256xi32> to vector<512x256xi32>
    %eq3A_248 = arith.cmpi eq, %eq3A_247, %iota3A : vector<512x256xi32>
    %slice3A_249 = vector.extract_strided_slice %ge3A_15 {offsets = [0, 1792], sizes = [1, 256], strides = [1, 1]} : vector<1x2048xi1> to vector<1x256xi1>
    %and3A_250 = vector.broadcast %slice3A_249 : vector<1x256xi1> to vector<512x256xi1>
    %and3A_251 = arith.andi %eq3A_248, %and3A_250 : vector<512x256xi1>
    %jit3A_252 = arith.constant 1.000000e+00 : f32
    %jit3A_253 = arith.constant 0.000000e+00 : f32
    %broadcast_in_dim3A_254 = vector.broadcast %jit3A_252 : f32 to vector<512x256xf32>
    %broadcast_in_dim3A_255 = vector.broadcast %jit3A_253 : f32 to vector<512x256xf32>
    %select_n3A_256 = arith.select %and3A_251, %broadcast_in_dim3A_254, %broadcast_in_dim3A_255 : vector<512x256xi1>, vector<512x256xf32>
    %slice3A_257 = vector.extract_strided_slice %get3A_3 {offsets = [0, 1792], sizes = [1, 256], strides = [1, 1]} : vector<1x2048xf32> to vector<1x256xf32>
    %mul3A_258 = vector.broadcast %slice3A_257 : vector<1x256xf32> to vector<512x256xf32>
    %mul3A_259 = arith.mulf %select_n3A_256, %mul3A_258 : vector<512x256xf32>
    %reduce_sum3A_260 = arith.constant dense<0.000000e+00> : vector<512xf32>
    %reduce_sum3A_261 = vector.multi_reduction <add>, %mul3A_259, %reduce_sum3A_260 [1] : vector<512x256xf32> to vector<512xf32>
    %broadcast_in_dim3A_262 = vector.shape_cast %reduce_sum3A_261 : vector<512xf32> to vector<512x1xf32>
    %add3A_263 = arith.addf %add3A_238, %broadcast_in_dim3A_262 : vector<512x1xf32>
    %slice3A_264 = vector.extract_strided_slice %convert_element_type3A {offsets = [0, 1792], sizes = [1, 256], strides = [1, 1]} : vector<1x2048xf32> to vector<1x256xf32>
    %mul3A_265 = vector.broadcast %slice3A_264 : vector<1x256xf32> to vector<512x256xf32>
    %mul3A_266 = arith.mulf %select_n3A_256, %mul3A_265 : vector<512x256xf32>
    %reduce_sum3A_267 = arith.constant dense<0.000000e+00> : vector<512xf32>
    %reduce_sum3A_268 = vector.multi_reduction <add>, %mul3A_266, %reduce_sum3A_267 [1] : vector<512x256xf32> to vector<512xf32>
    %broadcast_in_dim3A_269 = vector.shape_cast %reduce_sum3A_268 : vector<512xf32> to vector<512x1xf32>
    %add3A_270 = arith.addf %add3A_245, %broadcast_in_dim3A_269 : vector<512x1xf32>
    %iota3A_271 = tpu.iota {dimensions = array<i32: 0>} : vector<512x1xi32>
    %lt3A = vector.broadcast %reduce_sum3A_71 : i32 to vector<512x1xi32>
    %lt3A_272 = arith.cmpi slt, %iota3A_271, %lt3A : vector<512x1xi32>
    %jit3A_273 = arith.constant -1.000000e+00 : f32
    %broadcast_in_dim3A_274 = vector.broadcast %jit3A_273 : f32 to vector<512x1xf32>
    %select_n3A_275 = arith.select %lt3A_272, %add3A_263, %broadcast_in_dim3A_274 : vector<512x1xi1>, vector<512x1xf32>
    %transpose3A = tpu.transpose %select_n3A_275, [1, 0] : vector<512x1xf32> -> vector<1x512xf32>
    %transpose3A_276 = tpu.transpose %add3A_270, [1, 0] : vector<512x1xf32> -> vector<1x512xf32>
    %gt3A = vector.broadcast %transpose3A : vector<1x512xf32> to vector<512x512xf32>
    %gt3A_277 = vector.broadcast %select_n3A_275 : vector<512x1xf32> to vector<512x512xf32>
    %gt3A_278 = arith.cmpf ogt, %gt3A, %gt3A_277 : vector<512x512xf32>
    %eq3A_279 = vector.broadcast %transpose3A : vector<1x512xf32> to vector<512x512xf32>
    %eq3A_280 = vector.broadcast %select_n3A_275 : vector<512x1xf32> to vector<512x512xf32>
    %eq3A_281 = arith.cmpf oeq, %eq3A_279, %eq3A_280 : vector<512x512xf32>
    %lt3A_282 = vector.broadcast %transpose3A_276 : vector<1x512xf32> to vector<512x512xf32>
    %lt3A_283 = vector.broadcast %add3A_270 : vector<512x1xf32> to vector<512x512xf32>
    %lt3A_284 = arith.cmpf olt, %lt3A_282, %lt3A_283 : vector<512x512xf32>
    %and3A_285 = arith.andi %eq3A_281, %lt3A_284 : vector<512x512xi1>
    %or3A = arith.ori %gt3A_278, %and3A_285 : vector<512x512xi1>
    %convert_element_type3A_286 = arith.extui %or3A : vector<512x512xi1> to vector<512x512xi32>
    %reduce_sum3A_287 = arith.constant dense<0> : vector<512xi32>
    %reduce_sum3A_288 = vector.multi_reduction <add>, %convert_element_type3A_286, %reduce_sum3A_287 [1] : vector<512x512xi32> to vector<512xi32>
    %broadcast_in_dim3A_289 = vector.shape_cast %reduce_sum3A_288 : vector<512xi32> to vector<512x1xi32>
    %transpose3A_290 = tpu.transpose %broadcast_in_dim3A_289, [1, 0] : vector<512x1xi32> -> vector<1x512xi32>
    %iota3A_291 = tpu.iota {dimensions = array<i32: 0>} : vector<304x256xi32>
    %broadcast_in_dim3A_292 = arith.constant 0.000000e+00 : f32
    %broadcast_in_dim3A_293 = vector.broadcast %broadcast_in_dim3A_292 : f32 to vector<304x1xf32>
    %broadcast_in_dim3A_294 = arith.constant 0.000000e+00 : f32
    %broadcast_in_dim3A_295 = vector.broadcast %broadcast_in_dim3A_294 : f32 to vector<304x1xf32>
    %slice3A_296 = vector.extract_strided_slice %transpose3A_290 {offsets = [0, 0], sizes = [1, 256], strides = [1, 1]} : vector<1x512xi32> to vector<1x256xi32>
    %eq3A_297 = vector.broadcast %slice3A_296 : vector<1x256xi32> to vector<304x256xi32>
    %eq3A_298 = arith.cmpi eq, %eq3A_297, %iota3A_291 : vector<304x256xi32>
    %jit3A_299 = arith.constant 1.000000e+00 : f32
    %jit3A_300 = arith.constant 0.000000e+00 : f32
    %broadcast_in_dim3A_301 = vector.broadcast %jit3A_299 : f32 to vector<304x256xf32>
    %broadcast_in_dim3A_302 = vector.broadcast %jit3A_300 : f32 to vector<304x256xf32>
    %select_n3A_303 = arith.select %eq3A_298, %broadcast_in_dim3A_301, %broadcast_in_dim3A_302 : vector<304x256xi1>, vector<304x256xf32>
    %slice3A_304 = vector.extract_strided_slice %transpose3A {offsets = [0, 0], sizes = [1, 256], strides = [1, 1]} : vector<1x512xf32> to vector<1x256xf32>
    %mul3A_305 = vector.broadcast %slice3A_304 : vector<1x256xf32> to vector<304x256xf32>
    %mul3A_306 = arith.mulf %select_n3A_303, %mul3A_305 : vector<304x256xf32>
    %reduce_sum3A_307 = arith.constant dense<0.000000e+00> : vector<304xf32>
    %reduce_sum3A_308 = vector.multi_reduction <add>, %mul3A_306, %reduce_sum3A_307 [1] : vector<304x256xf32> to vector<304xf32>
    %broadcast_in_dim3A_309 = vector.shape_cast %reduce_sum3A_308 : vector<304xf32> to vector<304x1xf32>
    %add3A_310 = arith.addf %broadcast_in_dim3A_293, %broadcast_in_dim3A_309 : vector<304x1xf32>
    %slice3A_311 = vector.extract_strided_slice %transpose3A_276 {offsets = [0, 0], sizes = [1, 256], strides = [1, 1]} : vector<1x512xf32> to vector<1x256xf32>
    %mul3A_312 = vector.broadcast %slice3A_311 : vector<1x256xf32> to vector<304x256xf32>
    %mul3A_313 = arith.mulf %select_n3A_303, %mul3A_312 : vector<304x256xf32>
    %reduce_sum3A_314 = arith.constant dense<0.000000e+00> : vector<304xf32>
    %reduce_sum3A_315 = vector.multi_reduction <add>, %mul3A_313, %reduce_sum3A_314 [1] : vector<304x256xf32> to vector<304xf32>
    %broadcast_in_dim3A_316 = vector.shape_cast %reduce_sum3A_315 : vector<304xf32> to vector<304x1xf32>
    %add3A_317 = arith.addf %broadcast_in_dim3A_295, %broadcast_in_dim3A_316 : vector<304x1xf32>
    %slice3A_318 = vector.extract_strided_slice %transpose3A_290 {offsets = [0, 256], sizes = [1, 256], strides = [1, 1]} : vector<1x512xi32> to vector<1x256xi32>
    %eq3A_319 = vector.broadcast %slice3A_318 : vector<1x256xi32> to vector<304x256xi32>
    %eq3A_320 = arith.cmpi eq, %eq3A_319, %iota3A_291 : vector<304x256xi32>
    %jit3A_321 = arith.constant 1.000000e+00 : f32
    %jit3A_322 = arith.constant 0.000000e+00 : f32
    %broadcast_in_dim3A_323 = vector.broadcast %jit3A_321 : f32 to vector<304x256xf32>
    %broadcast_in_dim3A_324 = vector.broadcast %jit3A_322 : f32 to vector<304x256xf32>
    %select_n3A_325 = arith.select %eq3A_320, %broadcast_in_dim3A_323, %broadcast_in_dim3A_324 : vector<304x256xi1>, vector<304x256xf32>
    %slice3A_326 = vector.extract_strided_slice %transpose3A {offsets = [0, 256], sizes = [1, 256], strides = [1, 1]} : vector<1x512xf32> to vector<1x256xf32>
    %mul3A_327 = vector.broadcast %slice3A_326 : vector<1x256xf32> to vector<304x256xf32>
    %mul3A_328 = arith.mulf %select_n3A_325, %mul3A_327 : vector<304x256xf32>
    %reduce_sum3A_329 = arith.constant dense<0.000000e+00> : vector<304xf32>
    %reduce_sum3A_330 = vector.multi_reduction <add>, %mul3A_328, %reduce_sum3A_329 [1] : vector<304x256xf32> to vector<304xf32>
    %broadcast_in_dim3A_331 = vector.shape_cast %reduce_sum3A_330 : vector<304xf32> to vector<304x1xf32>
    %add3A_332 = arith.addf %add3A_310, %broadcast_in_dim3A_331 : vector<304x1xf32>
    %slice3A_333 = vector.extract_strided_slice %transpose3A_276 {offsets = [0, 256], sizes = [1, 256], strides = [1, 1]} : vector<1x512xf32> to vector<1x256xf32>
    %mul3A_334 = vector.broadcast %slice3A_333 : vector<1x256xf32> to vector<304x256xf32>
    %mul3A_335 = arith.mulf %select_n3A_325, %mul3A_334 : vector<304x256xf32>
    %reduce_sum3A_336 = arith.constant dense<0.000000e+00> : vector<304xf32>
    %reduce_sum3A_337 = vector.multi_reduction <add>, %mul3A_335, %reduce_sum3A_336 [1] : vector<304x256xf32> to vector<304xf32>
    %broadcast_in_dim3A_338 = vector.shape_cast %reduce_sum3A_337 : vector<304xf32> to vector<304x1xf32>
    %add3A_339 = arith.addf %add3A_317, %broadcast_in_dim3A_338 : vector<304x1xf32>
    %transpose3A_340 = tpu.transpose %add3A_332, [1, 0] : vector<304x1xf32> -> vector<1x304xf32>
    %slice3A_341 = vector.extract_strided_slice %transpose3A_340 {offsets = [0, 0], sizes = [1, 300], strides = [1, 1]} : vector<1x304xf32> to vector<1x300xf32>
    %squeeze3A = vector.shape_cast %slice3A_341 : vector<1x300xf32> to vector<300xf32>
    %transpose3A_342 = tpu.transpose %add3A_339, [1, 0] : vector<304x1xf32> -> vector<1x304xf32>
    %slice3A_343 = vector.extract_strided_slice %transpose3A_342 {offsets = [0, 0], sizes = [1, 300], strides = [1, 1]} : vector<1x304xf32> to vector<1x300xf32>
    %squeeze3A_344 = vector.shape_cast %slice3A_343 : vector<1x300xf32> to vector<300xf32>
    %convert_element_type3A_345 = arith.fptosi %squeeze3A_344 : vector<300xf32> to vector<300xi32>
    %jit3A_346 = arith.constant 80 : i32
    %eq3A_347 = arith.constant 0 : i32
    %eq3A_348 = arith.cmpi eq, %jit3A_346, %eq3A_347 : i32
    %jit3A_349 = arith.constant 1 : i32
    %select_n3A_350 = arith.select %eq3A_348, %jit3A_349, %jit3A_346 : i32
    %rem3A = vector.broadcast %select_n3A_350 : i32 to vector<300xi32>
    %rem3A_351 = arith.remsi %convert_element_type3A_345, %rem3A : vector<300xi32>
    %ne3A = arith.constant 0 : i32
    %ne3A_352 = vector.broadcast %ne3A : i32 to vector<300xi32>
    %ne3A_353 = arith.cmpi ne, %rem3A_351, %ne3A_352 : vector<300xi32>
    %lt3A_354 = arith.constant 0 : i32
    %lt3A_355 = vector.broadcast %lt3A_354 : i32 to vector<300xi32>
    %lt3A_356 = arith.cmpi slt, %rem3A_351, %lt3A_355 : vector<300xi32>
    %lt3A_357 = arith.constant 0 : i32
    %lt3A_358 = arith.cmpi slt, %select_n3A_350, %lt3A_357 : i32
    %ne3A_359 = vector.broadcast %lt3A_358 : i1 to vector<300xi1>
    %ne3A_360 = vector.broadcast %ne3A_359 : vector<300xi1> to vector<300xi1>
    %ne3A_361 = arith.xori %lt3A_356, %ne3A_360 : vector<300xi1>
    %and3A_362 = arith.andi %ne3A_361, %ne3A_353 : vector<300xi1>
    %add3A_363 = vector.broadcast %select_n3A_350 : i32 to vector<300xi32>
    %add3A_364 = arith.addi %rem3A_351, %add3A_363 : vector<300xi32>
    %select_n3A_365 = arith.select %and3A_362, %add3A_364, %rem3A_351 : vector<300xi1>, vector<300xi32>
    %swap3A = arith.constant 0 : index
    %swap3A_366 = arith.constant 0 : index
    %swap3A_367 = arith.constant 0 : index
    %swap3A_368 = vector.load %arg3[%swap3A, %swap3A_366, %swap3A_367] : memref<1x1x300xi32, #tpu.memory_space<vmem>>, vector<1x1x300xi32>
    %swap3A_369 = vector.shape_cast %swap3A_368 : vector<1x1x300xi32> to vector<300xi32>
    %swap3A_370 = vector.shape_cast %select_n3A_365 : vector<300xi32> to vector<1x1x300xi32>
    tpu.vector_store %arg3[%swap3A, %swap3A_366, %swap3A_367], %swap3A_370 {strides = array<i32>} : memref<1x1x300xi32, #tpu.memory_space<vmem>>, vector<1x1x300xi32>,
    %jit3A_371 = arith.constant 80 : i32
    %div3A = vector.broadcast %jit3A_371 : i32 to vector<300xi32>
    %div3A_372 = arith.divsi %convert_element_type3A_345, %div3A : vector<300xi32>
    %sign3A = arith.constant 0 : i32
    %sign3A_373 = vector.broadcast %sign3A : i32 to vector<300xi32>
    %sign3A_374 = arith.cmpi sgt, %convert_element_type3A_345, %sign3A_373 : vector<300xi32>
    %sign3A_375 = arith.extui %sign3A_374 : vector<300xi1> to vector<300xi32>
    %sign3A_376 = arith.constant 0 : i32
    %sign3A_377 = vector.broadcast %sign3A_376 : i32 to vector<300xi32>
    %sign3A_378 = arith.cmpi slt, %convert_element_type3A_345, %sign3A_377 : vector<300xi32>
    %sign3A_379 = arith.extui %sign3A_378 : vector<300xi1> to vector<300xi32>
    %sign3A_380 = arith.subi %sign3A_375, %sign3A_379 : vector<300xi32>
    %sign3A_381 = arith.constant 0 : i32
    %sign3A_382 = arith.cmpi sgt, %jit3A_371, %sign3A_381 : i32
    %sign3A_383 = arith.extui %sign3A_382 : i1 to i32
    %sign3A_384 = arith.constant 0 : i32
    %sign3A_385 = arith.cmpi slt, %jit3A_371, %sign3A_384 : i32
    %sign3A_386 = arith.extui %sign3A_385 : i1 to i32
    %sign3A_387 = arith.subi %sign3A_383, %sign3A_386 : i32
    %ne3A_388 = vector.broadcast %sign3A_387 : i32 to vector<300xi32>
    %ne3A_389 = arith.cmpi ne, %sign3A_380, %ne3A_388 : vector<300xi32>
    %rem3A_390 = vector.broadcast %jit3A_371 : i32 to vector<300xi32>
    %rem3A_391 = arith.remsi %convert_element_type3A_345, %rem3A_390 : vector<300xi32>
    %ne3A_392 = arith.constant 0 : i32
    %ne3A_393 = vector.broadcast %ne3A_392 : i32 to vector<300xi32>
    %ne3A_394 = arith.cmpi ne, %rem3A_391, %ne3A_393 : vector<300xi32>
    %and3A_395 = arith.andi %ne3A_389, %ne3A_394 : vector<300xi1>
    %sub3A_396 = arith.constant 1 : i32
    %sub3A_397 = vector.broadcast %sub3A_396 : i32 to vector<300xi32>
    %sub3A_398 = arith.subi %div3A_372, %sub3A_397 : vector<300xi32>
    %select_n3A_399 = arith.select %and3A_395, %sub3A_398, %div3A_372 : vector<300xi1>, vector<300xi32>
    %swap3A_400 = arith.constant 0 : index
    %swap3A_401 = arith.constant 0 : index
    %swap3A_402 = arith.constant 0 : index
    %swap3A_403 = vector.load %arg4[%swap3A_400, %swap3A_401, %swap3A_402] : memref<1x1x300xi32, #tpu.memory_space<vmem>>, vector<1x1x300xi32>
    %swap3A_404 = vector.shape_cast %swap3A_403 : vector<1x1x300xi32> to vector<300xi32>
    %swap3A_405 = vector.shape_cast %select_n3A_399 : vector<300xi32> to vector<1x1x300xi32>
    tpu.vector_store %arg4[%swap3A_400, %swap3A_401, %swap3A_402], %swap3A_405 {strides = array<i32>} : memref<1x1x300xi32, #tpu.memory_space<vmem>>, vector<1x1x300xi32>,
    %swap3A_406 = arith.constant 0 : index
    %swap3A_407 = arith.constant 0 : index
    %swap3A_408 = arith.constant 0 : index
    %swap3A_409 = vector.load %arg5[%swap3A_406, %swap3A_407, %swap3A_408] : memref<1x1x300xf32, #tpu.memory_space<vmem>>, vector<1x1x300xf32>
    %swap3A_410 = vector.shape_cast %swap3A_409 : vector<1x1x300xf32> to vector<300xf32>
    %swap3A_411 = vector.shape_cast %squeeze3A : vector<300xf32> to vector<1x1x300xf32>
    tpu.vector_store %arg5[%swap3A_406, %swap3A_407, %swap3A_408], %swap3A_411 {strides = array<i32>} : memref<1x1x300xf32, #tpu.memory_space<vmem>>, vector<1x1x300xf32>,
    return
  }
  func.func @transform_0(%arg0: i32) -> (i32, i32, i32) {
    %c0_i32 = arith.constant 0 : i32
    %c0_i32_0 = arith.constant 0 : i32
    %c0_i32_1 = arith.constant 0 : i32
    return %arg0, %c0_i32, %c0_i32_0 : i32, i32, i32
  }
  func.func @transform_1(%arg0: i32) -> (i32, i32, i32) {
    %c0_i32 = arith.constant 0 : i32
    %c0_i32_0 = arith.constant 0 : i32
    %c0_i32_1 = arith.constant 0 : i32
    return %arg0, %c0_i32, %c0_i32_0 : i32, i32, i32
  }
  func.func @transform_2(%arg0: i32) -> (i32, i32, i32) {
    %c0_i32 = arith.constant 0 : i32
    %c0_i32_0 = arith.constant 0 : i32
    %c0_i32_1 = arith.constant 0 : i32
    return %arg0, %c0_i32, %c0_i32_0 : i32, i32, i32
  }
  func.func @transform_3(%arg0: i32) -> (i32, i32, i32) {
    %c0_i32 = arith.constant 0 : i32
    %c0_i32_0 = arith.constant 0 : i32
    %c0_i32_1 = arith.constant 0 : i32
    return %arg0, %c0_i32, %c0_i32_0 : i32, i32, i32
  }
  func.func @transform_4(%arg0: i32) -> (i32, i32, i32) {
    %c0_i32 = arith.constant 0 : i32
    %c0_i32_0 = arith.constant 0 : i32
    %c0_i32_1 = arith.constant 0 : i32
    return %arg0, %c0_i32, %c0_i32_0 : i32, i32, i32
  }
}

</mosaic_0001>

<sc_bundles>
// kernel: gather_offload_async_start
scs
__scs_entry_jumppad:
0x0: {  	(pc) =	sbr.rel $0x88, $3  }
0x1: {  	(tag) =	ssettag $0x0;
	lr =	simm.s32 $0x1  }
0x2: {  	[smem:$0x3F9E] =	sst lr;
	_ =	strace $0xD0000000  }
0x3: {  	_ = 	snop  }
0x4: {  	_ = 	snop  }
0x5: {  	_ = 	snop  }
0x6: {  	_ = 	snop  }
0x7: {  	_ = 	snop  }
__scs_overlays_trampoline_lowered:
0x8: {  	[smem:$0x3FAD] =	sst s0  }
0x9: {  	[smem:$0x3FAE] =	sst s1  }
0xa: {  	[smem:$0x3FAF] =	sst s2  }
0xb: {  	[smem:$0x3FB0] =	sst s3  }
0xc: {  	[smem:$0x3FB1] =	sst s4  }
0xd: {  	[smem:$0x3FB2] =	sst s5  }
0xe: {  	[smem:$0x3FB3] =	sst s6  }
0xf: {  	[smem:$0x3FB4] =	sst s7  }
0x10: {  	[smem:$0x3FB5] =	sst s8  }
0x11: {  	[smem:$0x3FB6] =	sst s9;
	s0 =	simm.s32 @!p0 $0x0  }
0x12: {  	s1 =	sld [smem:$0x3F9C];
	s0 =	simm.s32 @p0 $0x1  }
0x13: {  	[smem:$0x3FB7] =	sst s0;
	s0 =	simm.s32 @!p1 $0x0  }
0x14: {  	s2 =	sld [smem:$0x3F9B];
	s0 =	simm.s32 @p1 $0x1  }
0x15: {  	[smem:$0x3FB8] =	sst s0;
	s0 =	simm.s32 @!p2 $0x0  }
0x16: {  	s3 =	sld [smem:$0x3FDB];
	s0 =	simm.s32 @p2 $0x1  }
0x17: {  	s4 =	simm.s32 $0x1BF5;
	[smem:$0x3FBA] =	sst s0  }
0x18: {  	s0 =	sld [smem:$0x3F9D];
	_ =	swait.ge [sflag:s4], $0x0  }
0x19: {  	s7 =	sld [smem:$0x3F9E]  }
0x1a: {  	s8 =	sadd.s32 $0xFFFFE003, lr  }
0x1b: {  	s9 =	sadd.s32 $0xFFFFFEF7, lr;
	s5 =	simm.s32 $0xFFFFFFFF;
	p2 =	slt.u32 s8, $0xFFFFF086  }
0x1c: {  	p1 =	slt.u32 s9, $0xF7A;
	s5 =	simm.s32 @!p2 $0x0  }
0x1d: {  	s5 =	simm.s32 @p1 $0x1;
	p0 =	seq.s32 s7, s2  }
0x1e: {  	s7 =	smul.u32 @!p0 $0xF7A, s2;
	p2 =	seq.s32 @!p0 s5, $0x0  }
0x1f: {  	s9 =	smul.u32 $0xF7A, s1;
	s8 =	simm.s32 @!p0 $0x1BF5;
	p2 =	por !p2, p0  }
0x20: {  	[sflag:s8] =	ssyncset.s32 @!p0 $0xFFFFF086;
	s6 =	sadd.s32 @!p0 s3, s7;
	s7 =	simm.s32 @!p0 $0x108  }
0x21: {  	s3 =	sadd.s32 s3, s9;
	s6 =	sadd.s32 @!p0 $0x88, s6;
	s7 =	simm.s32 @p2 $0x1082  }
0x22: {  	[simem:s7], [sflag:s8] =	dma.local @!p0 [hbm:s6], $0xF7A  }
0x23: {  	s9 =	sor.u32 $0xD0000000, s2;
	s6 =	simm.s32 $0x108;
	_ =	swait.ge @!p0 [sflag:s8], $0x0  }
0x24: {  	s3 =	sadd.s32 $0x88, s3;
	s6 =	simm.s32 @!p1 $0x1082;
	[sflag:s4] =	ssyncset.s32 $0xFFFFF086  }
0x25: {  	[simem:s6], [sflag:s4] =	dma.local [hbm:s3], $0xF7A  }
0x26: {  	[smem:$0x3F9E] =	sst s1;
	(tag) =	ssettag s2;
	_ =	strace s9  }
0x27: {  	s1 =	sld [smem:$0x3FAE]  }
0x28: {  	s2 =	sld [smem:$0x3FAF]  }
0x29: {  	s4 =	sld [smem:$0x3FB1]  }
0x2a: {  	p0 =	seq.s32 s5, $0x0;
	s5 =	sld [smem:$0x3FB2]  }
0x2b: {  	s6 =	sld [smem:$0x3FB3]  }
0x2c: {  	s7 =	sld [smem:$0x3FB4]  }
0x2d: {  	s3 =	simm.s32 $0x108;
	s8 =	sld [smem:$0x3FB5]  }
0x2e: {  	s3 =	simm.s32 @!p0 $0x1082;
	s9 =	sld [smem:$0x3FB6]  }
0x2f: {  	lr =	sadd.s32 s0, s3;
	s0 =	sld [smem:$0x3FAD]  }
0x30: {  	s3 =	sld [smem:$0x3FB0]  }
0x31: {  	[smem:$0x3FB9] =	sst s10  }
0x32: {  	s10 =	sld [smem:$0x3FB7];
	_ =	sdelay $0x3  }
0x33: {  	p0 =	seq.s32 s10, $0x1;
	s10 =	sld [smem:$0x3FB9];
	_ =	sdelay $0x3  }
0x34: {  	[smem:$0x3FB9] =	sst s10  }
0x35: {  	s10 =	sld [smem:$0x3FB8];
	_ =	sdelay $0x3  }
0x36: {  	p1 =	seq.s32 s10, $0x1;
	s10 =	sld [smem:$0x3FB9];
	_ =	sdelay $0x3  }
0x37: {  	[smem:$0x3FB9] =	sst s10  }
0x38: {  	s10 =	sld [smem:$0x3FBA]  }
0x39: {  	_ = 	snop;
	(pc) =	sbr.ind lr, $3  }
0x3a: {  	_ = 	snop  }
0x3b: {  	_ = 	snop  }
0x3c: {  	p2 =	seq.s32 s10, $0x1;
	s10 =	sld [smem:$0x3FB9]  }
0x3d: {  	_ =	shalt  }
0x3e: {  	_ =	shalt  }
0x3f: {  	_ =	shalt  }
0x40: {  	_ =	shalt  }
0x41: {  	_ =	shalt  }
0x42: {  	_ =	shalt  }
0x43: {  	_ =	shalt  }
0x44: {  	_ =	shalt  }
0x45: {  	_ =	shalt  }
0x46: {  	_ =	shalt  }
0x47: {  	_ =	shalt  }
0x48: {  	_ =	shalt  }
0x49: {  	_ =	shalt  }
0x4a: {  	_ =	shalt  }
0x4b: {  	_ =	shalt  }
0x4c: {  	_ =	shalt  }
0x4d: {  	_ =	shalt  }
0x4e: {  	_ =	shalt  }
0x4f: {  	_ =	shalt  }
0x50: {  	_ =	shalt  }
0x51: {  	_ =	shalt  }
0x52: {  	_ =	shalt  }
0x53: {  	_ =	shalt  }
0x54: {  	_ =	shalt  }
0x55: {  	_ =	shalt  }
0x56: {  	_ =	shalt  }
0x57: {  	_ =	shalt  }
0x58: {  	_ =	shalt  }
0x59: {  	_ =	shalt  }
0x5a: {  	_ =	shalt  }
0x5b: {  	_ =	shalt  }
0x5c: {  	_ =	shalt  }
0x5d: {  	_ =	shalt  }
0x5e: {  	_ =	shalt  }
0x5f: {  	_ =	shalt  }
0x60: {  	_ =	shalt  }
0x61: {  	_ =	shalt  }
0x62: {  	_ =	shalt  }
0x63: {  	_ =	shalt  }
0x64: {  	_ =	shalt  }
0x65: {  	_ =	shalt  }
0x66: {  	_ =	shalt  }
0x67: {  	_ =	shalt  }
0x68: {  	_ =	shalt  }
0x69: {  	_ =	shalt  }
0x6a: {  	_ =	shalt  }
0x6b: {  	_ =	shalt  }
0x6c: {  	_ =	shalt  }
0x6d: {  	_ =	shalt  }
0x6e: {  	_ =	shalt  }
0x6f: {  	_ =	shalt  }
0x70: {  	_ =	shalt  }
0x71: {  	_ =	shalt  }
0x72: {  	_ =	shalt  }
0x73: {  	_ =	shalt  }
0x74: {  	_ =	shalt  }
0x75: {  	_ =	shalt  }
0x76: {  	_ =	shalt  }
0x77: {  	_ =	shalt  }
0x78: {  	_ =	shalt  }
0x79: {  	_ =	shalt  }
0x7a: {  	_ =	shalt  }
0x7b: {  	_ =	shalt  }
0x7c: {  	_ =	shalt  }
0x7d: {  	_ =	shalt  }
0x7e: {  	_ =	shalt  }
0x7f: {  	_ =	shalt  }
0x80: {  	_ =	shalt  }
0x81: {  	_ =	shalt  }
0x82: {  	_ =	shalt  }
0x83: {  	_ =	shalt  }
0x84: {  	_ =	shalt  }
0x85: {  	_ =	shalt  }
0x86: {  	_ =	shalt  }
0x87: {  	_ =	shalt  }
.Lfunc_end0:
.L_simem_size_0:
called_computation_lowered:
.L_overlay_start_0:
0x88: {  	s2 =	sld [smem:$0x3FD9]  }
0x89: {  	s3 =	sld [smem:$0x3FFE];
	_ =	sdelay $0x1  }
0x8a: {  	s1 =	srdreg.scid  }
0x8b: {  	s0 =	sand.u32 $0x1, s1  }
0x8c: {  	s14 =	sshll.u32 s0, $0xA;
	s2 =	sadd.s32 s3, s2  }
0x8d: {  	s2 =	sadd.s32 s2, s14  }
0x8e: {  	[smem:$0x3FC5] =	sst s2  }
0x8f: {  	_ = 	snop  }
0x90: {  	s2 =	sld [smem:$0x3FD0];
	_ =	sdelay $0x2  }
0x91: {  	s15 =	simm.s32 $0xA;
	s4 =	simm.s32 $0x10  }
0x92: {  	[smem:s4], [sflag:s15] =	dma.local [hbm:s2], $0x1  }
0x93: {  	_ =	swait.eq [sflag:s15], $0x1  }
0x94: {  	[sflag:s15] =	ssyncset.done $0x0  }
0x95: {  	[sflag:s15] =	ssyncadd.s32 $0xFFFFFFFF  }
0x96: {  	s16 =	sld [smem:$0x11];
	(tm) =	ssettm $0x1  }
0x97: {  	s17 =	sld [smem:$0x3FFB];
	_ =	sdelay $0x3  }
0x98: {  	_ =	strace s17  }
0x99: {  	s3 =	sld [smem:$0x3FFC];
	_ =	sdelay $0x3  }
0x9a: {  	_ =	strace s3  }
0x9b: {  	s3 =	sld [smem:$0x3FFD];
	_ =	sdelay $0x3  }
0x9c: {  	_ =	strace s3  }
0x9d: {  	_ =	strace $0x8FFFFFFF  }
0x9e: {  	s18 =	sld [smem:$0x3FDB];
	_ =	sdelay $0x1  }
0x9f: {  	s19 =	simm.s32 $_scs_section_size  }
0xa0: {  	s5 =	simm.s32 $_size__tile_overlayer_lowered;
	s6 =	simm.s32 $_tile_overlayer_lowered  }
0xa1: {  	s22 =	simm.s32 $0x1BFF;
	s21 =	sshll.u32 s6, $0x1;
	s3 =	sadd.s32 s19, s18  }
0xa2: {  	s7 =	simm.s32 $0x0;
	s20 =	sshll.u32 s5, $0x1;
	s5 =	sadd.s32 s21, s3  }
0xa3: {  	[timem:s7], [sflag:s22] =	dma.local [hbm:s5], s20  }
0xa4: {  	_ =	swait.ge [sflag:s22], s20  }
0xa5: {  	s4 =	ssub.s32 $0x0, s20;
	[sflag:s22] =	ssyncset.done $0x0  }
0xa6: {  	[sflag:s22] =	ssyncadd.s32 s4;
	_ =	sdelay $0x1  }
0xa7: {  	s23 =	simm.s32 $0x1B8B  }
0xa8: {  	_ =	swait.ge [sflag:s23], $0x1  }
0xa9: {  	[sflag:s23] =	ssyncset.done $0x0  }
0xaa: {  	s25 =	simm.s32 $0x1B8E;
	s24 =	sld [smem:$0x3FFE];
	[sflag:s23] =	ssyncadd.s32 $0xFFFFFFFF  }
0xab: {  	s26 =	simm.s32 $execute0_lowered;
	[smem:$0x3FD2] =	sst s25  }
0xac: {  	s5 =	sshll.u32 s26, $0x1;
	_ =	strace $0x80000049;
	[dreg:$0x1] =	wrdreg $0xFFFFFFFF  }
0xad: {  	s28 =	simm.s32 $_size_execute0_lowered;
	s3 =	sadd.s32 s3, s5;
	[dreg:$0x0] =	wrdreg $0x0  }
0xae: {  	s5 =	sshll.u32 s28, $0x1;
	[dreg:$0x2] =	wrdreg s3  }
0xaf: {  	[dreg:$0x3] =	wrdreg s5  }
0xb0: {  	[dreg:$0x4] =	wrdreg $0xC0  }
0xb1: {  	_ =	task [dreg:s7], $0x5FFFF  }
0xb2: {  	[dreg:$0x1] =	wrdreg $0xFFFFFFFF  }
0xb3: {  	[dreg:$0x0] =	wrdreg $0x60  }
0xb4: {  	[dreg:$0x2] =	wrdreg s24  }
0xb5: {  	[dreg:$0x3] =	wrdreg s16  }
0xb6: {  	[dreg:$0x4] =	wrdreg $0x9  }
0xb7: {  	_ =	task.clear_ibuf [dreg:s7], $0x5FFFF;
	_ =	strace $0x90000049  }
0xb8: {  	s29 =	simm.s32 $0x9;
	_ =	strace $0x8000004B  }
0xb9: {  	_ =	swait.ge [sflag:s29], $0x1  }
0xba: {  	[sflag:s29] =	ssyncadd.s32 $0xFFFFFFFF  }
0xbb: {  	_ =	strace $0x9000004B  }
0xbc: {  	_ =	sfence  }
0xbd: {  	s30 =	sld [smem:$0x0];
	_ =	sdelay $0x2  }
0xbe: {  	s31 =	sshll.u32 s1, $0xD;
	s1 =	sshrl.u32 s1, $0x2  }
0xbf: {  	s3 =	sand.u32 $0x4000, s31;
	s1 =	sadd.s32 s1, s30  }
0xc0: {  	s0 =	sor.u32 s3, s0;
	s1 =	sshll.u32 s1, $0x11  }
0xc1: {  	s0 =	sor.u32 s1, s0  }
0xc2: {  	s0 =	sadd.s32 $0x8F2B, s0  }
0xc3: {  	[sflag:s0] =	ssyncadd.remote.s32 $0x1  }
0xc4: {  	_ =	sfence.sel $0xFFFF  }
0xc5: {  	[dreg:$0x0] =	wrdreg $0xFFFFFFFF;
	(pc) =	sbr.abs _section_cstart, $3  }
0xc6: {  	[dreg:$0x1] =	wrdreg $0xFFFFFFFF  }
0xc7: {  	_ =	task.clear_ibuf [dreg:s7], $0x2FFFF;
	_ =	strace $0x9FFFFFFF  }
0xc8: {  	(tm) =	ssettm $0x7FFFFFFF  }
0xc9: {  	_ =	shalt  }
tec
execute0_lowered:
.L_overlay_start_1:
0x0: {  	(tag) =	ssettag $0x1  }
0x1: {  	s8 =	rddreg [dreg:$0x0]  }
0x2: {  	s2 =	rddreg [dreg:$0x1]  }
0x3: {  	s0 =	rddreg [dreg:$0x2];
	s1 =	stileid.u32  }
0x4: {  	s3 =	srdreg.scid;
	_ =	strace $0x8000004A;
	s4 =	simm.s32 $0x1  }
0x5: {  	s7 =	simm.s32 $0x1;
	s9 =	simm.s32 $0x1;
	s10 =	simm.s32 $0x3  }
0x6: {  	s13 =	simm.s32 $0x0;
	s5 =	sand.u32 $0x1, s3;
	s6 =	sshll.u32 s1, $0x1  }
0x7: {  	s12 =	simm.s32 $0x0;
	s3 =	sadd.s32 $0xAC00, s8;
	s5 =	sor.u32 s6, s5  }
.Ltmp0:
0x8: {  	[sflag:s4] =	ssyncpa.u1 $0x0;
	p0 =	slt.u32 s5, $0x9;
	(pc) =	sbr.rel .LBB2_1-.Ltmp0, $4  }
0x9: {  	s6 =	simm.s32 $0x2;
	s7 =	simm.s32 @!p0 $0x0;
	p0 =	sne.s32 s5, $0x8  }
0xa: {  	[sflag:s6] =	ssyncpa.u1 $0x0;
	s5 =	smul.u32 $0x1E0, s5;
	s9 =	simm.s32 @!p0 $0x0  }
0xb: {  	s8 =	sadd.s32 $0x3400, s8;
	[sflag:s10] =	ssyncpa.u1 $0x0;
	s7 =	sadd.s32 s9, s7  }
0xc: {  	vm0 =	vmmov $0xffff;
	s10 =	simm.s32 $0x0;
	s11 =	smov.u32 s5;
	s9 =	sadd.s32 $0x1, s7  }
.LBB2_4:
0xd: {  	v6 =	vand.u32 $0x7F, v3;
	v4 =	vsel vm1, $0xFFFEC600, v4  }
0xe: {  	v5 =	vmul.u32 $0x13A00, v5;
	vm1 =	vmmov vm2;
	v56 =	vshll.u32 v3, $0x2  }
0xf: {  	v7 =	vand.u32 $0xF, v1;
	v2 =	vshll.u32 v2, $0x7;
	v57 =	vshrl.u32 v1, $0x4  }
0x10: {  	v58 =	vshrl.u32 v1, $0x6;
	v4 =	vor.u32 v4, v6;
	v3 =	vand.u32 $0xFFFFFE00, v56  }
0x11: {  	v2 =	vand.u32 $0x180, v2;
	v4 =	vadd.s32 v5, v4;
	v5 =	vand.u32 $0x3, v57  }
0x12: {  	v1 =	vand.u32 $0x7FFF, v58;
	v59 =	vmul.u32 $0x13A00, v7;
	v5 =	vsel vm1, $0xFFFFFFFF, v5  }
0x13: {  	v1 =	vsel vm1, $0xFFFFFFFF, v1;
	v3 =	vadd.s32 v3, v4;
	v60 =	vshrl.u32 v5, $0x2  }
0x14: {  	v61 =	vand.u32 $0x7F, v1;
	v6 =	vsel vm1, $0xFFFEC600, v59;
	v4 =	vmul.u32 $0x13A00, v60  }
0x15: {  	v1 =	vshll.u32 v1, $0x2;
	v2 =	vor.u32 v2, v3;
	v62 =	vor.u32 v6, v61  }
0x16: {  	v1 =	vand.u32 $0xFFFFFE00, v1;
	v5 =	vshll.u32 v5, $0x7;
	v3 =	vadd.s32 v4, v62  }
0x17: {  	v63 =	vand.u32 $0x180, v5;
	v1 =	vadd.s32 v1, v3  }
0x18: {  	(ifvalue) =	ssetifvalue $0x7FFFFFFF;
	s15 =	sadd.s32 $0x10, s15;
	v1 =	vor.u32 v63, v1  }
0x19: {  	[tilespmem:s15], [sflag:$0x1] =	stream.indirect_vreg.gather [hbm4b:s3+s10], $0x1, v0, vm0, $0x4038;
	[tilespmem:$0x780] =	vst v63  }
0x1a: {  	(ifvalue) =	ssetifvalue $0x7FFFFFFF;
	s15 =	sadd.s32 $0x10, s15  }
0x1b: {  	[tilespmem:s15], [sflag:$0x1] =	stream.indirect_vreg.gather [hbm4b:s3+s10], $0x1, v2, vm0, $0x4038;
	[tilespmem:$0x780] =	vst v63  }
0x1c: {  	(ifvalue) =	ssetifvalue $0x7FFFFFFF;
	s15 =	sadd.s32 $0x10, s15  }
0x1d: {  	[tilespmem:s15], [sflag:$0x1] =	stream.indirect_vreg.gather [hbm4b:s3+s10], $0x1, v1, vm0, $0x4038;
	[tilespmem:$0x780] =	vst v63  }
0x1e: {  	_ =	swait.ge [sflag:s4], $0x1E0  }
0x1f: {  	s30 =	sshrl.u32 s13, $0x3;
	[sflag:s4] =	ssyncset.done $0x0  }
0x20: {  	s31 =	sand.u32 $0x7, s13;
	s15 =	sadd.s32 s8, s30;
	[sflag:s4] =	ssyncadd.s32 $0xFFFFFE20  }
0x21: {  	[hbm4b:s15+s31] =	stream.linear.scatter [tilespmem:s14], [sflag:$0x3], $0x1E0, $0x38;
	[tilespmem:$0x780] =	vst v63  }
.LBB2_5:
0x22: {  	s15 =	sadd.s32 $0x3C00, s11  }
0x23: {  	p1 =	sgt.s32 s15, $0x4AFF  }
0x24: {  	s15 =	smov.u32 @p1 s5;
	p1 =	sne.s32 s12, s9  }
.Ltmp1:
0x25: {  	p0 =	slt.u32 s12, $0x2;
	(pc) =	sbr.rel @!p1 .LBB2_6-.Ltmp1, $4  }
0x26: {  	s14 =	simm.s32 @!p0 $0x3  }
0x27: {  	_ =	swait.ge @!p0 [sflag:s14], $0x1E0  }
0x28: {  	s16 =	sadd.s32 $0x1, s12;
	s13 =	smov.u32 s11;
	[sflag:s14] =	ssyncset.done @!p0 $0x0  }
0x29: {  	s12 =	smov.u32 s16;
	s11 =	smov.u32 s15;
	[sflag:s14] =	ssyncadd.s32 @!p0 $0xFFFFFE20  }
.LBB2_1:
0x2a: {  	p0 =	sge.u32 s12, s7  }
0x2b: {  	s14 =	sxor.u32 @!p0 $0x1, s12  }
0x2c: {  	s14 =	smul.u32 @!p0 $0x780, s14  }
0x2d: {  	s31 =	sadd.s32 $0xFFFFFFFF, s12;
	s15 =	sshrl.u32 @!p0 s11, $0x3  }
0x2e: {  	s16 =	sand.u32 @!p0 $0x7, s11;
	s15 =	sadd.s32 @!p0 s2, s15;
	s14 =	sshra.s32 @!p0 s14, $0x2  }
0x2f: {  	[tilespmem:s14], [sflag:$0x2] =	stream.linear.gather @!p0 [hbm4b:s15+s16], $0x1E0, $0x38;
	[tilespmem:$0x780] =	vst v63  }
0x30: {  	p0 =	sge.u32 s31, s7  }
.Ltmp2:
0x31: {  	_ = 	snop;
	(pc) =	sbr.rel @p0 .LBB2_5-.Ltmp2, $1  }
0x32: {  	_ =	sdelay $0x3  }
0x33: {  	s14 =	sand.u32 $0x1, s12  }
0x34: {  	_ =	swait.ge [sflag:s6], $0x1E0;
	p0 =	seq.s32 s14, $0x1;
	s14 =	simm.s32 $0x1E0  }
0x35: {  	[sflag:s6] =	ssyncset.done $0x0;
	s14 =	simm.s32 @!p0 $0x0  }
0x36: {  	[sflag:s6] =	ssyncadd.s32 $0xFFFFFE20;
	(ifvalue) =	ssetifvalue $0x7FFFFFFF;
	v0 =	vld.msk [tilespmem:s14+$0x0 ss:$0x1], $0xffff;
	_ =	sdelay $0x1  }
0x37: {  	s15 =	sadd.s32 $0x10, s14  }
0x38: {  	v1 =	vld.msk [tilespmem:s15+$0x0 ss:$0x1], $0xffff;
	s15 =	sadd.s32 $0x10, s15  }
0x39: {  	v6 =	vld.msk [tilespmem:s15+$0x0 ss:$0x1], $0xffff  }
0x3a: {  	vm1 =	veq.s32 v0, $0x80000000;
	v2 =	vand.u32 $0xF, v0  }
0x3b: {  	v3 =	vshrl.u32 v0, $0x4;
	v0 =	vshrl.u32 v0, $0x6;
	vm1 =	vmmov vm1  }
0x3c: {  	v3 =	vand.u32 $0x3, v3;
	v0 =	vand.u32 $0x7FFF, v0;
	v2 =	vmul.u32 $0x13A00, v2  }
0x3d: {  	vm2 =	veq.s32 v1, $0x80000000;
	v7 =	vand.u32 $0xF, v1;
	v3 =	vsel vm1, $0xFFFFFFFF, v3  }
0x3e: {  	v0 =	vsel vm1, $0xFFFFFFFF, v0;
	v8 =	vand.u32 $0xF, v6;
	v4 =	vshrl.u32 v3, $0x2  }
0x3f: {  	v5 =	vand.u32 $0x7F, v0;
	v2 =	vsel vm1, $0xFFFEC600, v2;
	vm1 =	vmmov vm2  }
0x40: {  	v0 =	vshll.u32 v0, $0x2;
	v3 =	vshll.u32 v3, $0x7;
	v4 =	vmul.u32 $0x13A00, v4  }
0x41: {  	v2 =	vor.u32 v2, v5;
	v0 =	vand.u32 $0xFFFFFE00, v0;
	v3 =	vand.u32 $0x180, v3  }
0x42: {  	v2 =	vadd.s32 v4, v2;
	v4 =	vshrl.u32 v1, $0x4;
	v1 =	vshrl.u32 v1, $0x6  }
0x43: {  	v0 =	vadd.s32 v0, v2;
	v2 =	vand.u32 $0x3, v4;
	v1 =	vand.u32 $0x7FFF, v1  }
0x44: {  	v0 =	vor.u32 v3, v0;
	v2 =	vsel vm1, $0xFFFFFFFF, v2;
	v3 =	vmul.u32 $0x13A00, v7  }
0x45: {  	vm2 =	veq.s32 v6, $0x80000000;
	v4 =	vsel vm1, $0xFFFFFFFF, v1;
	v1 =	vshrl.u32 v2, $0x2  }
0x46: {  	s15 =	sadd.s32 $0x10, s15;
	v5 =	vand.u32 $0x7F, v4;
	v3 =	vsel vm1, $0xFFFEC600, v3;
	v7 =	vmul.u32 $0x13A00, v1  }
0x47: {  	v4 =	vshll.u32 v4, $0x2;
	v2 =	vshll.u32 v2, $0x7;
	v1 =	vld.msk [tilespmem:s15+$0x0 ss:$0x1], $0xffff;
	v3 =	vor.u32 v3, v5  }
0x48: {  	vm1 =	vmmov vm2;
	v4 =	vand.u32 $0xFFFFFE00, v4;
	v3 =	vadd.s32 v7, v3  }
0x49: {  	s14 =	sadd.s32 $0x3C0, s14;
	(ifvalue) =	ssetifvalue $0x7FFFFFFF;
	v2 =	vand.u32 $0x180, v2;
	v5 =	vshrl.u32 v6, $0x4;
	v3 =	vadd.s32 v4, v3  }
0x4a: {  	[tilespmem:s14], [sflag:$0x1] =	stream.indirect_vreg.gather [hbm4b:s3+s10], $0x1, v0, vm0, $0x4038;
	v4 =	vand.u32 $0x3, v5;
	v5 =	vshrl.u32 v6, $0x6;
	v0 =	vor.u32 v2, v3;
	[tilespmem:$0x780] =	vst v63  }
0x4b: {  	v2 =	vsel vm1, $0xFFFFFFFF, v4;
	v3 =	vand.u32 $0x7FFF, v5;
	v4 =	vmul.u32 $0x13A00, v8  }
0x4c: {  	s16 =	simm.s32 $0x30;
	s17 =	sadd.s32 $0x10, s15;
	s15 =	smov.u32 s14;
	vm2 =	veq.s32 v1, $0x80000000;
	v3 =	vsel vm1, $0xFFFFFFFF, v3;
	v5 =	vshrl.u32 v2, $0x2  }
.LBB2_3:
0x4d: {  	v7 =	vand.u32 $0x7F, v3  }
0x4e: {  	v6 =	vld.msk [tilespmem:s17+$0x0 ss:$0x1], $0xffff;
	v4 =	vsel vm1, $0xFFFEC600, v4;
	v5 =	vmul.u32 $0x13A00, v5;
	vm1 =	vmmov vm2;
	s16 =	sadd.s32 $0x10, s16  }
0x4f: {  	v8 =	vand.u32 $0xF, v1;
	v3 =	vshll.u32 v3, $0x2;
	s15 =	sadd.s32 $0x10, s15;
	v4 =	vor.u32 v4, v7;
	(ifvalue) =	ssetifvalue $0x7FFFFFFF;
	p0 =	slt.u32 s16, $0x1D0  }
0x50: {  	[tilespmem:s15], [sflag:$0x1] =	stream.indirect_vreg.gather [hbm4b:s3+s10], $0x1, v0, vm0, $0x4038;
	[tilespmem:$0x780] =	vst v63  }
.Ltmp3:
0x51: {  	v2 =	vshll.u32 v2, $0x7;
	v3 =	vand.u32 $0xFFFFFE00, v3;
	v4 =	vadd.s32 v5, v4;
	(pc) =	sbr.rel @p0 .LBB2_3-.Ltmp3, $4  }
0x52: {  	v2 =	vand.u32 $0x180, v2;
	v0 =	vshrl.u32 v1, $0x4;
	v3 =	vadd.s32 v3, v4  }
0x53: {  	v9 =	vshrl.u32 v1, $0x6;
	v4 =	vand.u32 $0x3, v0;
	v0 =	vor.u32 v2, v3  }
0x54: {  	v7 =	vand.u32 $0x7FFF, v9;
	v2 =	vsel vm1, $0xFFFFFFFF, v4;
	v4 =	vmul.u32 $0x13A00, v8  }
0x55: {  	s17 =	sadd.s32 $0x10, s17;
	v3 =	vsel vm1, $0xFFFFFFFF, v7;
	vm2 =	veq.s32 v6, $0x80000000;
	v5 =	vshrl.u32 v2, $0x2;
	v1 =	vmovc v6  }
.Ltmp4:
0x56: {  	_ = 	snop;
	(pc) =	sbr.rel .LBB2_4-.Ltmp4, $1  }
0x57: {  	_ =	sdelay $0x3  }
.LBB2_6:
0x58: {  	_ =	sfence.sel $0x180000  }
0x59: {  	s2 =	simm.s32 $0x2;
	[bflag:$0x0] =	sbarrier.arrive $0xFFFF  }
0x5a: {  	s30 =	simm.s32 $0x3;
	[sflag:s2] =	ssyncpa.u1 $0x1  }
0x5b: {  	s31 =	simm.s32 $0x1;
	[sflag:s30] =	ssyncpa.u1 $0x1  }
0x5c: {  	[sflag:s31] =	ssyncpa.u1 $0x1  }
0x5d: {  	p0 =	sne.s32 s1, $0x0;
	_ =	strace $0x9000004A  }
0x5e: {  	s0 =	sadd.s32 @!p0 $0x100000, s0;
	[bflag:$0x2] =	sbarrier.arrive $0xFFFF  }
0x5f: {  	[sflag:s0] =	ssyncadd.tile.s32 @!p0 $0x1;
	_ =	shalt  }
.Lfunc_end2:
_tile_overlayer_lowered:
.L_overlay_start_2:
0x60: {  	(tag) =	ssettag $0x2  }
0x61: {  	s0 =	rddreg [dreg:$0x0];
	s2 =	stileid.u32  }
0x62: {  	s1 =	rddreg [dreg:$0x1];
	p0 =	sne.s32 s2, $0x0  }
0x63: {  	s3 =	rddreg [dreg:$0x2];
	[bflag:$0x3] =	sbarrier.arrive $0xFFFF;
	s2 =	simm.s32 @!p0 $0x1C01  }
0x64: {  	[timem:s3], [sflag:s2] =	dma.local @!p0 [hbm:s0], s1  }
0x65: {  	s0 =	simm.s32 @!p0 $0x1  }
0x66: {  	_ =	swait.ge @!p0 [sflag:s0], s1  }
0x67: {  	s1 =	ssub.s32 @!p0 $0x0, s1;
	[sflag:s0] =	ssyncset.done @!p0 $0x0  }
0x68: {  	[sflag:s0] =	ssyncadd.s32 @!p0 s1  }
0x69: {  	[bflag:$0x3] =	sbarrier.arrive $0xFFFF  }
0x6a: {  	_ =	shalt  }

// kernel: kernel.5.cloned.1.call-start
scs
__scs_entry_jumppad:
0x0: {  	(pc) =	sbr.rel $0x88, $3  }
0x1: {  	(tag) =	ssettag $0x0;
	lr =	simm.s32 $0x1  }
0x2: {  	[smem:$0x3F9E] =	sst lr;
	_ =	strace $0xD0000000  }
0x3: {  	_ = 	snop  }
0x4: {  	_ = 	snop  }
0x5: {  	_ = 	snop  }
0x6: {  	_ = 	snop  }
0x7: {  	_ = 	snop  }
__scs_overlays_trampoline_lowered:
0x8: {  	[smem:$0x3FAD] =	sst s0  }
0x9: {  	[smem:$0x3FAE] =	sst s1  }
0xa: {  	[smem:$0x3FAF] =	sst s2  }
0xb: {  	[smem:$0x3FB0] =	sst s3  }
0xc: {  	[smem:$0x3FB1] =	sst s4  }
0xd: {  	[smem:$0x3FB2] =	sst s5  }
0xe: {  	[smem:$0x3FB3] =	sst s6  }
0xf: {  	[smem:$0x3FB4] =	sst s7  }
0x10: {  	[smem:$0x3FB5] =	sst s8  }
0x11: {  	[smem:$0x3FB6] =	sst s9;
	s0 =	simm.s32 @!p0 $0x0  }
0x12: {  	s1 =	sld [smem:$0x3F9C];
	s0 =	simm.s32 @p0 $0x1  }
0x13: {  	[smem:$0x3FB7] =	sst s0;
	s0 =	simm.s32 @!p1 $0x0  }
0x14: {  	s2 =	sld [smem:$0x3F9B];
	s0 =	simm.s32 @p1 $0x1  }
0x15: {  	[smem:$0x3FB8] =	sst s0;
	s0 =	simm.s32 @!p2 $0x0  }
0x16: {  	s3 =	sld [smem:$0x3FDB];
	s0 =	simm.s32 @p2 $0x1  }
0x17: {  	s4 =	simm.s32 $0x1BF5;
	[smem:$0x3FBA] =	sst s0  }
0x18: {  	s0 =	sld [smem:$0x3F9D];
	_ =	swait.ge [sflag:s4], $0x0  }
0x19: {  	s7 =	sld [smem:$0x3F9E]  }
0x1a: {  	s8 =	sadd.s32 $0xFFFFE003, lr  }
0x1b: {  	s9 =	sadd.s32 $0xFFFFFEF7, lr;
	s5 =	simm.s32 $0xFFFFFFFF;
	p2 =	slt.u32 s8, $0xFFFFF086  }
0x1c: {  	p1 =	slt.u32 s9, $0xF7A;
	s5 =	simm.s32 @!p2 $0x0  }
0x1d: {  	s5 =	simm.s32 @p1 $0x1;
	p0 =	seq.s32 s7, s2  }
0x1e: {  	s7 =	smul.u32 @!p0 $0xF7A, s2;
	p2 =	seq.s32 @!p0 s5, $0x0  }
0x1f: {  	s9 =	smul.u32 $0xF7A, s1;
	s8 =	simm.s32 @!p0 $0x1BF5;
	p2 =	por !p2, p0  }
0x20: {  	[sflag:s8] =	ssyncset.s32 @!p0 $0xFFFFF086;
	s6 =	sadd.s32 @!p0 s3, s7;
	s7 =	simm.s32 @!p0 $0x108  }
0x21: {  	s3 =	sadd.s32 s3, s9;
	s6 =	sadd.s32 @!p0 $0x88, s6;
	s7 =	simm.s32 @p2 $0x1082  }
0x22: {  	[simem:s7], [sflag:s8] =	dma.local @!p0 [hbm:s6], $0xF7A  }
0x23: {  	s9 =	sor.u32 $0xD0000000, s2;
	s6 =	simm.s32 $0x108;
	_ =	swait.ge @!p0 [sflag:s8], $0x0  }
0x24: {  	s3 =	sadd.s32 $0x88, s3;
	s6 =	simm.s32 @!p1 $0x1082;
	[sflag:s4] =	ssyncset.s32 $0xFFFFF086  }
0x25: {  	[simem:s6], [sflag:s4] =	dma.local [hbm:s3], $0xF7A  }
0x26: {  	[smem:$0x3F9E] =	sst s1;
	(tag) =	ssettag s2;
	_ =	strace s9  }
0x27: {  	s1 =	sld [smem:$0x3FAE]  }
0x28: {  	s2 =	sld [smem:$0x3FAF]  }
0x29: {  	s4 =	sld [smem:$0x3FB1]  }
0x2a: {  	p0 =	seq.s32 s5, $0x0;
	s5 =	sld [smem:$0x3FB2]  }
0x2b: {  	s6 =	sld [smem:$0x3FB3]  }
0x2c: {  	s7 =	sld [smem:$0x3FB4]  }
0x2d: {  	s3 =	simm.s32 $0x108;
	s8 =	sld [smem:$0x3FB5]  }
0x2e: {  	s3 =	simm.s32 @!p0 $0x1082;
	s9 =	sld [smem:$0x3FB6]  }
0x2f: {  	lr =	sadd.s32 s0, s3;
	s0 =	sld [smem:$0x3FAD]  }
0x30: {  	s3 =	sld [smem:$0x3FB0]  }
0x31: {  	[smem:$0x3FB9] =	sst s10  }
0x32: {  	s10 =	sld [smem:$0x3FB7];
	_ =	sdelay $0x3  }
0x33: {  	p0 =	seq.s32 s10, $0x1;
	s10 =	sld [smem:$0x3FB9];
	_ =	sdelay $0x3  }
0x34: {  	[smem:$0x3FB9] =	sst s10  }
0x35: {  	s10 =	sld [smem:$0x3FB8];
	_ =	sdelay $0x3  }
0x36: {  	p1 =	seq.s32 s10, $0x1;
	s10 =	sld [smem:$0x3FB9];
	_ =	sdelay $0x3  }
0x37: {  	[smem:$0x3FB9] =	sst s10  }
0x38: {  	s10 =	sld [smem:$0x3FBA]  }
0x39: {  	_ = 	snop;
	(pc) =	sbr.ind lr, $3  }
0x3a: {  	_ = 	snop  }
0x3b: {  	_ = 	snop  }
0x3c: {  	p2 =	seq.s32 s10, $0x1;
	s10 =	sld [smem:$0x3FB9]  }
0x3d: {  	_ =	shalt  }
0x3e: {  	_ =	shalt  }
0x3f: {  	_ =	shalt  }
0x40: {  	_ =	shalt  }
0x41: {  	_ =	shalt  }
0x42: {  	_ =	shalt  }
0x43: {  	_ =	shalt  }
0x44: {  	_ =	shalt  }
0x45: {  	_ =	shalt  }
0x46: {  	_ =	shalt  }
0x47: {  	_ =	shalt  }
0x48: {  	_ =	shalt  }
0x49: {  	_ =	shalt  }
0x4a: {  	_ =	shalt  }
0x4b: {  	_ =	shalt  }
0x4c: {  	_ =	shalt  }
0x4d: {  	_ =	shalt  }
0x4e: {  	_ =	shalt  }
0x4f: {  	_ =	shalt  }
0x50: {  	_ =	shalt  }
0x51: {  	_ =	shalt  }
0x52: {  	_ =	shalt  }
0x53: {  	_ =	shalt  }
0x54: {  	_ =	shalt  }
0x55: {  	_ =	shalt  }
0x56: {  	_ =	shalt  }
0x57: {  	_ =	shalt  }
0x58: {  	_ =	shalt  }
0x59: {  	_ =	shalt  }
0x5a: {  	_ =	shalt  }
0x5b: {  	_ =	shalt  }
0x5c: {  	_ =	shalt  }
0x5d: {  	_ =	shalt  }
0x5e: {  	_ =	shalt  }
0x5f: {  	_ =	shalt  }
0x60: {  	_ =	shalt  }
0x61: {  	_ =	shalt  }
0x62: {  	_ =	shalt  }
0x63: {  	_ =	shalt  }
0x64: {  	_ =	shalt  }
0x65: {  	_ =	shalt  }
0x66: {  	_ =	shalt  }
0x67: {  	_ =	shalt  }
0x68: {  	_ =	shalt  }
0x69: {  	_ =	shalt  }
0x6a: {  	_ =	shalt  }
0x6b: {  	_ =	shalt  }
0x6c: {  	_ =	shalt  }
0x6d: {  	_ =	shalt  }
0x6e: {  	_ =	shalt  }
0x6f: {  	_ =	shalt  }
0x70: {  	_ =	shalt  }
0x71: {  	_ =	shalt  }
0x72: {  	_ =	shalt  }
0x73: {  	_ =	shalt  }
0x74: {  	_ =	shalt  }
0x75: {  	_ =	shalt  }
0x76: {  	_ =	shalt  }
0x77: {  	_ =	shalt  }
0x78: {  	_ =	shalt  }
0x79: {  	_ =	shalt  }
0x7a: {  	_ =	shalt  }
0x7b: {  	_ =	shalt  }
0x7c: {  	_ =	shalt  }
0x7d: {  	_ =	shalt  }
0x7e: {  	_ =	shalt  }
0x7f: {  	_ =	shalt  }
0x80: {  	_ =	shalt  }
0x81: {  	_ =	shalt  }
0x82: {  	_ =	shalt  }
0x83: {  	_ =	shalt  }
0x84: {  	_ =	shalt  }
0x85: {  	_ =	shalt  }
0x86: {  	_ =	shalt  }
0x87: {  	_ =	shalt  }
.Lfunc_end0:
.L_simem_size_0:
called_computation.1_lowered:
.L_overlay_start_0:
0x88: {  	s2 =	sld [smem:$0x3FD9]  }
0x89: {  	s3 =	sld [smem:$0x3FFE];
	_ =	sdelay $0x1  }
0x8a: {  	s1 =	srdreg.scid  }
0x8b: {  	s0 =	sand.u32 $0x1, s1  }
0x8c: {  	s14 =	sshll.u32 s0, $0xA;
	s2 =	sadd.s32 s3, s2  }
0x8d: {  	s2 =	sadd.s32 s2, s14  }
0x8e: {  	[smem:$0x3FC5] =	sst s2  }
0x8f: {  	_ = 	snop  }
0x90: {  	s2 =	sld [smem:$0x3FD0];
	_ =	sdelay $0x2  }
0x91: {  	s15 =	simm.s32 $0xA;
	s4 =	simm.s32 $0x10  }
0x92: {  	[smem:s4], [sflag:s15] =	dma.local [hbm:s2], $0x1  }
0x93: {  	_ =	swait.eq [sflag:s15], $0x1  }
0x94: {  	[sflag:s15] =	ssyncset.done $0x0  }
0x95: {  	s16 =	sld [smem:$0x10];
	[sflag:s15] =	ssyncadd.s32 $0xFFFFFFFF  }
0x96: {  	s17 =	sld [smem:$0x12];
	(tm) =	ssettm $0x1  }
0x97: {  	s18 =	sld [smem:$0x3FFB];
	_ =	sdelay $0x3  }
0x98: {  	_ =	strace s18  }
0x99: {  	s4 =	sld [smem:$0x3FFC];
	_ =	sdelay $0x3  }
0x9a: {  	_ =	strace s4  }
0x9b: {  	s4 =	sld [smem:$0x3FFD];
	_ =	sdelay $0x3  }
0x9c: {  	_ =	strace s4  }
0x9d: {  	_ =	strace $0x8FFFFFFF  }
0x9e: {  	s19 =	sld [smem:$0x3FDB];
	_ =	sdelay $0x1  }
0x9f: {  	s5 =	simm.s32 $_scs_section_size  }
0xa0: {  	s6 =	simm.s32 $_size__tile_overlayer_lowered;
	s7 =	simm.s32 $_tile_overlayer_lowered  }
0xa1: {  	s22 =	simm.s32 $0x1BFF;
	s21 =	sshll.u32 s7, $0x1;
	s4 =	sadd.s32 s5, s19  }
0xa2: {  	s8 =	simm.s32 $0x0;
	s20 =	sshll.u32 s6, $0x1;
	s6 =	sadd.s32 s21, s4  }
0xa3: {  	[timem:s8], [sflag:s22] =	dma.local [hbm:s6], s20  }
0xa4: {  	_ =	swait.ge [sflag:s22], s20  }
0xa5: {  	s5 =	ssub.s32 $0x0, s20;
	[sflag:s22] =	ssyncset.done $0x0  }
0xa6: {  	[sflag:s22] =	ssyncadd.s32 s5;
	_ =	sdelay $0x1  }
0xa7: {  	s23 =	simm.s32 $0x1B8B  }
0xa8: {  	_ =	swait.ge [sflag:s23], $0x1  }
0xa9: {  	[sflag:s23] =	ssyncset.done $0x0  }
0xaa: {  	s25 =	simm.s32 $0x1B8E;
	s24 =	sld [smem:$0x3FFE];
	[sflag:s23] =	ssyncadd.s32 $0xFFFFFFFF  }
0xab: {  	s26 =	simm.s32 $execute0_lowered;
	[smem:$0x3FD2] =	sst s25  }
0xac: {  	s6 =	sshll.u32 s26, $0x1;
	_ =	strace $0x80000046;
	[dreg:$0x1] =	wrdreg $0xFFFFFFFF  }
0xad: {  	s28 =	simm.s32 $_size_execute0_lowered;
	s4 =	sadd.s32 s4, s6;
	[dreg:$0x0] =	wrdreg $0x0  }
0xae: {  	s6 =	sshll.u32 s28, $0x1;
	[dreg:$0x2] =	wrdreg s4  }
0xaf: {  	[dreg:$0x3] =	wrdreg s6  }
0xb0: {  	[dreg:$0x4] =	wrdreg $0xC0  }
0xb1: {  	_ =	task [dreg:s8], $0x5FFFF  }
0xb2: {  	[dreg:$0x1] =	wrdreg $0xFFFFFFFF  }
0xb3: {  	[dreg:$0x0] =	wrdreg $0x60  }
0xb4: {  	[dreg:$0x2] =	wrdreg s24  }
0xb5: {  	[dreg:$0x3] =	wrdreg s16  }
0xb6: {  	[dreg:$0x4] =	wrdreg s17  }
0xb7: {  	[dreg:$0x5] =	wrdreg $0x9  }
0xb8: {  	_ =	task.clear_ibuf [dreg:s8], $0x6FFFF;
	_ =	strace $0x90000046  }
0xb9: {  	s29 =	simm.s32 $0x9;
	_ =	strace $0x80000048  }
0xba: {  	_ =	swait.ge [sflag:s29], $0x1  }
0xbb: {  	[sflag:s29] =	ssyncadd.s32 $0xFFFFFFFF  }
0xbc: {  	_ =	strace $0x90000048  }
0xbd: {  	_ =	sfence  }
0xbe: {  	s30 =	sld [smem:$0x0];
	_ =	sdelay $0x2  }
0xbf: {  	s31 =	sshll.u32 s1, $0xD;
	s1 =	sshrl.u32 s1, $0x2  }
0xc0: {  	s3 =	sand.u32 $0x4000, s31;
	s1 =	sadd.s32 s1, s30  }
0xc1: {  	s0 =	sor.u32 s3, s0;
	s1 =	sshll.u32 s1, $0x11  }
0xc2: {  	s0 =	sor.u32 s1, s0  }
0xc3: {  	s0 =	sadd.s32 $0x8F2B, s0  }
0xc4: {  	[sflag:s0] =	ssyncadd.remote.s32 $0x1  }
0xc5: {  	_ =	sfence.sel $0xFFFF  }
0xc6: {  	[dreg:$0x0] =	wrdreg $0xFFFFFFFF;
	(pc) =	sbr.abs _section_cstart, $3  }
0xc7: {  	[dreg:$0x1] =	wrdreg $0xFFFFFFFF  }
0xc8: {  	_ =	task.clear_ibuf [dreg:s8], $0x2FFFF;
	_ =	strace $0x9FFFFFFF  }
0xc9: {  	(tm) =	ssettm $0x7FFFFFFF  }
tec
execute0_lowered:
.L_overlay_start_1:
0x0: {  	(tag) =	ssettag $0x1  }
0x1: {  	s1 =	rddreg [dreg:$0x0]  }
0x2: {  	s0 =	srdreg.scid;
	s5 =	rddreg [dreg:$0x1]  }
0x3: {  	s10 =	stileid.u32;
	s11 =	rddreg [dreg:$0x2];
	s6 =	simm.s32 $0x1  }
0x4: {  	s4 =	simm.s32 $0x1;
	s14 =	simm.s32 $0x80;
	s15 =	simm.s32 $0x1900  }
0x5: {  	s18 =	simm.s32 $0x5B00;
	s19 =	simm.s32 $0x1A00;
	s20 =	simm.s32 $0x9B00  }
0x6: {  	s21 =	simm.s32 $0x1A80;
	s22 =	simm.s32 $0xDB00;
	s23 =	simm.s32 $0x400  }
0x7: {  	s24 =	simm.s32 $0x11B00;
	s25 =	simm.s32 $0x11F00;
	s28 =	simm.s32 $0x0  }
0x8: {  	s0 =	sand.u32 $0x1, s0;
	s2 =	sshll.u32 s10, $0x1;
	s3 =	sadd.s32 $0x7F2200, s1  }
0x9: {  	s7 =	sor.u32 s0, s2;
	p0 =	seq.s32 s0, $0x1;
	s2 =	simm.s32 $0x0  }
0xa: {  	s0 =	ssub.s32 $0x2, s0;
	p1 =	seq.s32 s7, $0x0;
	[smem:$0x7FF] =	sst s2  }
0xb: {  	s7 =	sshll.u32 s7, $0x7;
	s13 =	sshrl.u32 s0, $0x1;
	p1 =	por !p1, !p0  }
0xc: {  	_ =	strace $0x80000047;
	s12 =	sand.u32 $0x380, s7;
	p1 =	por !p1, !p1  }
0xd: {  	s0 =	ssub.s32 s0, s13;
	s13 =	simm.s32 $0x2;
	s6 =	simm.s32 @!p1 $0x0  }
0xe: {  	s9 =	ssub.s32 s10, s6;
	s6 =	simm.s32 $0x1880;
	s10 =	sshrl.u32 s10, $0x2  }
0xf: {  	s8 =	smul.u32 $0x3100, s9;
	s6 =	simm.s32 @!p0 $0x0;
	s26 =	sshll.u32 s10, $0xD  }
0x10: {  	s29 =	sshll.u32 s9, $0x4;
	s10 =	sshll.u32 s10, $0xA;
	s31 =	smul.u32 $0x30D4, s9  }
0x11: {  	s16 =	smul.u32 $0xFFFFCF2C, s9;
	s7 =	sor.u32 s26, s12;
	s30 =	sand.u32 $0x1FFFFFF0, s29  }
.Ltmp0:
0x12: {  	v2 =	vlaneseq.u32;
	s10 =	sor.u32 s10, s12;
	s8 =	sadd.s32 s6, s8;
	(pc) =	sbr.rel .LBB2_1-.Ltmp0, $4  }
0x13: {  	v3 =	vimm.s32 $0x0;
	vm0 =	vcmask $0x300;
	vm1 =	vcmask $0x704;
	s26 =	simm.s32 $0x12300;
	s12 =	sshrl.u32 s10, $0x3;
	s8 =	sshrl.u32 s8, $0x3  }
0x14: {  	v4 =	vor.u32 $0x10, v2;
	v5 =	vor.u32 $0x20, v2;
	v6 =	vor.u32 $0x30, v2;
	s7 =	sshrl.u32 s7, $0x3;
	s11 =	sadd.s32 s11, s12;
	s8 =	sadd.s32 s8, s1  }
0x15: {  	v7 =	vor.u32 $0x40, v2;
	v8 =	vor.u32 $0x50, v2;
	v9 =	vor.u32 $0x60, v2;
	s12 =	smax.u32 s0, $0x1;
	s1 =	sadd.s32 s7, s1;
	s7 =	sadd.s32 $0x2A00, s8  }
0x16: {  	v10 =	vor.u32 $0x70, v2;
	v0 =	vmov s31;
	v1 =	vmov s16;
	s8 =	sadd.s32 s5, s30;
	s9 =	sadd.s32 $0x8C00, s1;
	s10 =	sadd.s32 $0x9C00, s1  }
.LBB2_4:
0x17: {  	s0 =	simm.s32 $0x0  }
.LBB2_10:
0x18: {  	v11 =	vmov s29  }
0x19: {  	v11 =	vnsel vm0, $0x0, v11  }
0x1a: {  	v11 =	vsel vm1, s0, v11  }
0x1b: {  	[tilespmem:$0x12300] =	vst v11  }
0x1c: {  	[hbm4b:s9+s14] =	stream.strided.scatter [tilespmem:s24], [sflag:$0x2], $0x400, s23, s14, $0x38;
	[tilespmem:$0x12380] =	vst v63  }
0x1d: {  	_ =	swait.ge [sflag:s13], $0x400  }
0x1e: {  	[sflag:s13] =	ssyncset.done $0x0  }
0x1f: {  	[sflag:s13] =	ssyncadd.s32 $0xFFFFFC00  }
0x20: {  	[hbm4b:s10+s14] =	stream.strided.scatter [tilespmem:s25], [sflag:$0x2], $0x400, s23, s14, $0x38;
	[tilespmem:$0x12380] =	vst v63  }
0x21: {  	s28 =	sadd.s32 $0x1, s28;
	_ =	swait.ge [sflag:s13], $0x400  }
0x22: {  	p0 =	sne.s32 s28, s12;
	[sflag:s13] =	ssyncset.done $0x0  }
.Ltmp1:
0x23: {  	[sflag:s13] =	ssyncadd.s32 $0xFFFFFC00;
	(pc) =	sbr.rel @!p0 .LBB2_11-.Ltmp1, $4  }
0x24: {  	[hbm4b:s11+s2] =	stream.linear.scatter [tilespmem:s26], [sflag:$0x2], $0x80, $0x38;
	[tilespmem:$0x12380] =	vst v63  }
0x25: {  	_ =	swait.ge [sflag:s13], $0x80  }
0x26: {  	[sflag:s13] =	ssyncset.done $0x0  }
0x27: {  	[sflag:s13] =	ssyncadd.s32 $0xFFFFFF80  }
.LBB2_1:
0x28: {  	[tilespmem:s2], [sflag:$0x2] =	stream.linear.gather [hbm4b:s7+s2], $0x1880, $0x38;
	[tilespmem:$0x12380] =	vst v63  }
0x29: {  	_ =	swait.ge [sflag:s13], $0x1880  }
0x2a: {  	[sflag:s13] =	ssyncset.done $0x0  }
0x2b: {  	s0 =	simm.s32 $0x1880;
	[sflag:s13] =	ssyncadd.s32 $0xFFFFE780  }
0x2c: {  	[tilespmem:s0], [sflag:$0x2] =	stream.linear.gather [hbm4b:s8+s2], $0x80, $0x38;
	[tilespmem:$0x12380] =	vst v63  }
0x2d: {  	_ =	swait.ge [sflag:s13], $0x80  }
0x2e: {  	[sflag:s13] =	ssyncset.done $0x0  }
0x2f: {  	[sflag:s13] =	ssyncadd.s32 $0xFFFFFF80  }
0x30: {  	[tilespmem:$0x1900] =	vst v0  }
0x31: {  	[tilespmem:$0x1910] =	vst v0  }
0x32: {  	[tilespmem:$0x1920] =	vst v0  }
0x33: {  	[tilespmem:$0x1930] =	vst v0  }
0x34: {  	[tilespmem:$0x1940] =	vst v0  }
0x35: {  	[tilespmem:$0x1950] =	vst v0  }
0x36: {  	[tilespmem:$0x1960] =	vst v0  }
0x37: {  	[tilespmem:$0x1970] =	vst v0  }
0x38: {  	[tilespmem:$0x1980] =	vst v0  }
0x39: {  	[tilespmem:$0x1990] =	vst v0  }
0x3a: {  	[tilespmem:$0x19A0] =	vst v0  }
0x3b: {  	[tilespmem:$0x19B0] =	vst v0  }
0x3c: {  	[tilespmem:$0x19C0] =	vst v0  }
0x3d: {  	[tilespmem:$0x19D0] =	vst v0  }
0x3e: {  	[tilespmem:$0x19E0] =	vst v0  }
0x3f: {  	[tilespmem:$0x19F0] =	vst v0  }
0x40: {  	[tilespmem:$0x1A00] =	vst v0  }
0x41: {  	[tilespmem:$0x1A10] =	vst v0  }
0x42: {  	[tilespmem:$0x1A20] =	vst v0  }
0x43: {  	[tilespmem:$0x1A30] =	vst v0  }
0x44: {  	[tilespmem:$0x1A40] =	vst v0  }
0x45: {  	[tilespmem:$0x1A50] =	vst v0  }
0x46: {  	[tilespmem:$0x1A60] =	vst v0  }
0x47: {  	[tilespmem:$0x1A70] =	vst v0  }
0x48: {  	[tilespmem:$0x1A80] =	vst v0  }
0x49: {  	[tilespmem:$0x1A90] =	vst v0  }
0x4a: {  	[tilespmem:$0x1AA0] =	vst v0  }
0x4b: {  	[tilespmem:$0x1AB0] =	vst v0  }
0x4c: {  	[tilespmem:$0x1AC0] =	vst v0  }
0x4d: {  	[tilespmem:$0x1AD0] =	vst v0  }
0x4e: {  	[tilespmem:$0x1AE0] =	vst v0  }
0x4f: {  	s31 =	simm.s32 $0x0;
	v11 =	vld [tilespmem:$0x1880];
	[tilespmem:$0x1AF0] =	vst v0  }
0x50: {  	v12 =	vld [tilespmem:s31+$0x0];
	_ =	sdelay $0x3  }
0x51: {  	v13 =	vor.u32 s6, v2  }
0x52: {  	vm3 =	vlt.u32 v13, $0x30D4;
	vm2 =	vge.f32 v12, v11  }
0x53: {  	vm2 =	vmand vm3, vm2  }
0x54: {  	v63 =	vsel vm2, $0x1, v3  }
0x55: {  	(xrf0) =	vadd.scan.msk.s32 $0xffff, v63;
	_ =	sdelay $0x5  }
0x56: {  	v12, _, _ =	vpop (xrf0)  }
0x57: {  	p0 =	por $0x1, $0x1;
	s0 =	simm.s32 $0x0;
	(v2sf) =	vpush v12, $0xF  }
0x58: {  	s16 =	simm.s32 $0x10;
	v13 =	vadd.s32 v0, v13;
	s0 =	simm.s32 @!p0 $0x1F0  }
0x59: {  	s5 =	simm.s32 $0x80;
	s1 =	smov.u32 s6;
	[tilespmem:s0+$0x1900] =	vst.msk vm2, v13;
	s0 =	simm.s32 $0x0  }
.LBB2_2:
0x5a: {  	p0 =	sne.s32 s5, $0x61C0;
	v12 =	vld [tilespmem:s16+$0x0];
	_ =	sdelay $0x2  }
0x5b: {  	s1 =	sadd.s32 $0x10, s1  }
0x5c: {  	v13 =	vor.u32 s1, v2  }
0x5d: {  	vm3 =	vlt.u32 v13, $0x30D4;
	vm2 =	vge.f32 v12, v11  }
0x5e: {  	vm2 =	vmand vm3, vm2  }
0x5f: {  	v12 =	vsel vm2, $0x1, v3  }
0x60: {  	(xrf0) =	vadd.scan.msk.s32 $0xffff, v12;
	_ =	sdelay $0x3  }
0x61: {  	s16 =	spop (v2sf)  }
.Ltmp2:
0x62: {  	s0 =	sadd.s32 s0, s16;
	(pc) =	sbr.rel @p0 .LBB2_2-.Ltmp2, $4  }
0x63: {  	p1 =	slt.s32 s0, $0x1F0;
	v12, _, _ =	vpop (xrf0);
	s16 =	smov.u32 s0  }
0x64: {  	v13 =	vadd.s32 v0, v13;
	s16 =	simm.s32 @!p1 $0x1F0;
	(v2sf) =	vpush v12, $0xF  }
0x65: {  	[tilespmem:s16+$0x1900] =	vst.msk vm2, v13  }
0x66: {  	s16 =	sshra.s32 s5, $0x2;
	s5 =	sadd.s32 $0x40, s5  }
0x67: {  	v12 =	vld [tilespmem:s16+$0x0];
	_ =	sdelay $0x2  }
0x68: {  	s1 =	sadd.s32 $0x10, s1  }
0x69: {  	v13 =	vor.u32 s1, v2  }
0x6a: {  	vm3 =	vlt.u32 v13, $0x30D4;
	vm2 =	vge.f32 v12, v11  }
0x6b: {  	vm2 =	vmand vm3, vm2  }
0x6c: {  	v62 =	vsel vm2, $0x1, v3  }
0x6d: {  	(xrf0) =	vadd.scan.msk.s32 $0xffff, v62;
	_ =	sdelay $0x5  }
0x6e: {  	v12, _, _ =	vpop (xrf0)  }
0x6f: {  	(v2sf) =	vpush v12, $0xF;
	_ =	sdelay $0x2  }
0x70: {  	s17 =	spop (v2sf)  }
0x71: {  	s0 =	sadd.s32 s0, s17  }
0x72: {  	p0 =	slt.s32 s0, $0x1F0;
	s1 =	smov.u32 s0  }
0x73: {  	v63 =	vadd.s32 v0, v13;
	s1 =	simm.s32 @!p0 $0x1F0  }
0x74: {  	s30 =	simm.s32 $0x1B00;
	[tilespmem:s1+$0x1900] =	vst.msk vm2, v63  }
0x75: {  	[tilespmem:s30], [sflag:$0x1] =	stream.indirect.gather [hbm4b:s3+s14], $0x80, s15, s14, $0xb8;
	[tilespmem:$0x12380] =	vst v63  }
0x76: {  	s31 =	simm.s32 $0x1980  }
0x77: {  	[tilespmem:s18], [sflag:$0x1] =	stream.indirect.gather [hbm4b:s3+s14], $0x80, s31, s14, $0xb8;
	[tilespmem:$0x12380] =	vst v63  }
0x78: {  	_ = 	snop  }
0x79: {  	[tilespmem:s20], [sflag:$0x1] =	stream.indirect.gather [hbm4b:s3+s14], $0x80, s19, s14, $0xb8;
	[tilespmem:$0x12380] =	vst v63  }
0x7a: {  	_ = 	snop  }
0x7b: {  	[tilespmem:s22], [sflag:$0x1] =	stream.indirect.gather [hbm4b:s3+s14], $0x80, s21, s14, $0xb8;
	[tilespmem:$0x12380] =	vst v63  }
0x7c: {  	s1 =	spop (v2sf)  }
0x7d: {  	_ =	swait.ge [sflag:s4], $0x4000  }
0x7e: {  	[sflag:s4] =	ssyncset.done $0x0  }
0x7f: {  	[sflag:s4] =	ssyncadd.s32 $0xFFFFC000  }
0x80: {  	_ =	swait.ge [sflag:s4], $0x4000  }
0x81: {  	[sflag:s4] =	ssyncset.done $0x0  }
0x82: {  	s29 =	sadd.s32 s0, s1;
	[sflag:s4] =	ssyncadd.s32 $0xFFFFC000  }
0x83: {  	p0 =	slt.s32 s29, $0x1;
	_ =	swait.ge [sflag:s4], $0x4000  }
.Ltmp3:
0x84: {  	[sflag:s4] =	ssyncset.done $0x0;
	(pc) =	sbr.rel @p0 .LBB2_4-.Ltmp3, $4  }
0x85: {  	[sflag:s4] =	ssyncadd.s32 $0xFFFFC000  }
0x86: {  	_ =	swait.ge [sflag:s4], $0x4000  }
0x87: {  	[sflag:s4] =	ssyncset.done $0x0  }
0x88: {  	[sflag:s4] =	ssyncadd.s32 $0xFFFFC000  }
0x89: {  	s31 =	simm.s32 $0x0;
	s30 =	simm.s32 $0x1B40;
	s1 =	sadd.s32 s0, s1  }
0x8a: {  	v12 =	vmov s31;
	v13 =	vld [tilespmem:s30+$0xFFFFFFC0];
	p1 =	sne.s32 s1, $0x1  }
.Ltmp4:
0x8b: {  	_ = 	snop;
	(pc) =	sbr.rel @!p1 .LBB2_6-.Ltmp4, $2  }
0x8c: {  	_ =	sdelay $0x2  }
0x8d: {  	s0 =	simm.s32 $0x1;
	p0 =	por $0x0, $0x0;
	v12 =	vld.idx.msk [tilespmem:v12+s15+$0x0], $0xffff;
	vm2 =	vge.f32 v13, v11  }
0x8e: {  	_ = 	snop  }
0x8f: {  	v14 =	vsel vm2, $0x1, v3  }
0x90: {  	(xrf0) =	vadd.scan.msk.s32 $0xffff, v14;
	_ =	sdelay $0x1  }
0x91: {  	p0 =	por $0x1, $0x1;
	s5 =	simm.s32 $0x0;
	v12 =	vadd.s32 v1, v12  }
0x92: {  	s5 =	simm.s32 @!p0 $0x3F0;
	v12 =	vshll.u32 v12, $0x7  }
0x93: {  	[tilespmem:s5+$0x11B00] =	vst.msk vm2, v13;
	v13 =	vor.u32 v2, v12  }
0x94: {  	[tilespmem:s5+$0x11F00] =	vst.msk vm2, v13  }
0x95: {  	v14, _, _ =	vpop (xrf0);
	v13 =	vld [tilespmem:s30+$0xFFFFFFD0]  }
0x96: {  	(v2sf) =	vpush v14, $0xF;
	_ =	sdelay $0x3  }
0x97: {  	vm2 =	vge.f32 v13, v11  }
0x98: {  	v14 =	vsel vm2, $0x1, v3  }
0x99: {  	(xrf0) =	vadd.scan.msk.s32 $0xffff, v14;
	_ =	sdelay $0x5  }
0x9a: {  	v14, _, _ =	vpop (xrf0)  }
0x9b: {  	(v2sf) =	vpush v14, $0xF;
	_ =	sdelay $0x1  }
0x9c: {  	s16 =	spop (v2sf)  }
0x9d: {  	s5 =	sadd.s32 $0x0, s16  }
0x9e: {  	p0 =	slt.s32 s5, $0x3F0;
	s16 =	smov.u32 s5  }
0x9f: {  	s16 =	simm.s32 @!p0 $0x3F0  }
0xa0: {  	[tilespmem:s16+$0x11B00] =	vst.msk vm2, v13;
	v13 =	vor.u32 v4, v12  }
0xa1: {  	[tilespmem:s16+$0x11F00] =	vst.msk vm2, v13  }
0xa2: {  	v13 =	vld [tilespmem:s30+$0xFFFFFFE0];
	_ =	sdelay $0x4  }
0xa3: {  	vm2 =	vge.f32 v13, v11  }
0xa4: {  	v14 =	vsel vm2, $0x1, v3  }
0xa5: {  	(xrf0) =	vadd.scan.msk.s32 $0xffff, v14;
	s17 =	spop (v2sf)  }
0xa6: {  	s5 =	sadd.s32 s5, s17  }
0xa7: {  	p0 =	slt.s32 s5, $0x3F0;
	s16 =	smov.u32 s5  }
0xa8: {  	s16 =	simm.s32 @!p0 $0x3F0  }
0xa9: {  	[tilespmem:s16+$0x11B00] =	vst.msk vm2, v13;
	v13 =	vor.u32 v5, v12  }
0xaa: {  	[tilespmem:s16+$0x11F00] =	vst.msk vm2, v13  }
0xab: {  	v14, _, _ =	vpop (xrf0);
	v13 =	vld [tilespmem:s30+$0xFFFFFFF0]  }
0xac: {  	(v2sf) =	vpush v14, $0xF;
	_ =	sdelay $0x3  }
0xad: {  	vm2 =	vge.f32 v13, v11  }
0xae: {  	v14 =	vsel vm2, $0x1, v3  }
0xaf: {  	(xrf0) =	vadd.scan.msk.s32 $0xffff, v14;
	_ =	sdelay $0x5  }
0xb0: {  	v14, _, _ =	vpop (xrf0)  }
0xb1: {  	(v2sf) =	vpush v14, $0xF;
	_ =	sdelay $0x1  }
0xb2: {  	s17 =	spop (v2sf)  }
0xb3: {  	s5 =	sadd.s32 s5, s17  }
0xb4: {  	p0 =	slt.s32 s5, $0x3F0;
	s16 =	smov.u32 s5  }
0xb5: {  	s16 =	simm.s32 @!p0 $0x3F0  }
0xb6: {  	[tilespmem:s16+$0x11B00] =	vst.msk vm2, v13;
	v13 =	vor.u32 v6, v12  }
0xb7: {  	[tilespmem:s16+$0x11F00] =	vst.msk vm2, v13  }
0xb8: {  	v13 =	vld [tilespmem:s30+$0x0];
	_ =	sdelay $0x4  }
0xb9: {  	vm2 =	vge.f32 v13, v11  }
0xba: {  	v14 =	vsel vm2, $0x1, v3  }
0xbb: {  	(xrf0) =	vadd.scan.msk.s32 $0xffff, v14;
	s17 =	spop (v2sf)  }
0xbc: {  	s5 =	sadd.s32 s5, s17  }
0xbd: {  	p0 =	slt.s32 s5, $0x3F0;
	s16 =	smov.u32 s5  }
0xbe: {  	s16 =	simm.s32 @!p0 $0x3F0  }
0xbf: {  	[tilespmem:s16+$0x11B00] =	vst.msk vm2, v13;
	v13 =	vor.u32 v7, v12  }
0xc0: {  	[tilespmem:s16+$0x11F00] =	vst.msk vm2, v13  }
0xc1: {  	v14, _, _ =	vpop (xrf0);
	v13 =	vld [tilespmem:s30+$0x10]  }
0xc2: {  	(v2sf) =	vpush v14, $0xF;
	_ =	sdelay $0x3  }
0xc3: {  	vm2 =	vge.f32 v13, v11  }
0xc4: {  	v14 =	vsel vm2, $0x1, v3  }
0xc5: {  	(xrf0) =	vadd.scan.msk.s32 $0xffff, v14;
	_ =	sdelay $0x5  }
0xc6: {  	v14, _, _ =	vpop (xrf0)  }
0xc7: {  	(v2sf) =	vpush v14, $0xF;
	_ =	sdelay $0x1  }
0xc8: {  	s17 =	spop (v2sf)  }
0xc9: {  	s5 =	sadd.s32 s5, s17  }
0xca: {  	p0 =	slt.s32 s5, $0x3F0;
	s16 =	smov.u32 s5  }
0xcb: {  	s16 =	simm.s32 @!p0 $0x3F0  }
0xcc: {  	[tilespmem:s16+$0x11B00] =	vst.msk vm2, v13;
	v13 =	vor.u32 v8, v12  }
0xcd: {  	[tilespmem:s16+$0x11F00] =	vst.msk vm2, v13  }
0xce: {  	v13 =	vld [tilespmem:s30+$0x20];
	_ =	sdelay $0x4  }
0xcf: {  	vm2 =	vge.f32 v13, v11  }
0xd0: {  	v14 =	vsel vm2, $0x1, v3  }
0xd1: {  	(xrf0) =	vadd.scan.msk.s32 $0xffff, v14;
	s17 =	spop (v2sf)  }
0xd2: {  	s5 =	sadd.s32 s5, s17  }
0xd3: {  	p0 =	slt.s32 s5, $0x3F0;
	s16 =	smov.u32 s5  }
0xd4: {  	s16 =	simm.s32 @!p0 $0x3F0  }
0xd5: {  	[tilespmem:s16+$0x11B00] =	vst.msk vm2, v13;
	v13 =	vor.u32 v9, v12  }
0xd6: {  	[tilespmem:s16+$0x11F00] =	vst.msk vm2, v13  }
0xd7: {  	v14, _, _ =	vpop (xrf0);
	v13 =	vld [tilespmem:s30+$0x30]  }
0xd8: {  	(v2sf) =	vpush v14, $0xF;
	_ =	sdelay $0x3  }
0xd9: {  	vm2 =	vge.f32 v13, v11  }
0xda: {  	v14 =	vsel vm2, $0x1, v3  }
0xdb: {  	(xrf0) =	vadd.scan.msk.s32 $0xffff, v14;
	_ =	sdelay $0x5  }
0xdc: {  	v14, _, _ =	vpop (xrf0)  }
0xdd: {  	(v2sf) =	vpush v14, $0xF;
	_ =	sdelay $0x1  }
0xde: {  	s17 =	spop (v2sf)  }
0xdf: {  	s16 =	sadd.s32 s5, s17  }
0xe0: {  	p0 =	slt.s32 s16, $0x3F0;
	s5 =	smov.u32 s16  }
0xe1: {  	s5 =	simm.s32 @!p0 $0x3F0  }
0xe2: {  	v12 =	vor.u32 v10, v12;
	[tilespmem:s5+$0x11B00] =	vst.msk vm2, v13  }
0xe3: {  	[tilespmem:s5+$0x11F00] =	vst.msk vm2, v12;
	v12 =	vmov s0;
	_ =	sdelay $0x1  }
0xe4: {  	s30 =	simm.s32 $0x1BC0  }
0xe5: {  	p1 =	sne.s32 s1, $0x2;
	v13 =	vld [tilespmem:s30+$0xFFFFFFC0]  }
.Ltmp5:
0xe6: {  	_ = 	snop;
	(pc) =	sbr.rel @!p1 .LBB2_9-.Ltmp5, $2  }
0xe7: {  	v12 =	vld.idx.msk [tilespmem:v12+s15+$0x0], $0xffff;
	_ =	sdelay $0x2  }
0xe8: {  	p0 =	por $0x1, $0x1;
	s0 =	simm.s32 $0x2;
	vm2 =	vge.f32 v13, v11;
	s5 =	spop (v2sf)  }
.LBB2_8:
0xe9: {  	v14 =	vsel vm2, $0x1, v3;
	s17 =	sadd.s32 s16, s5;
	s5 =	smov.u32 s0;
	s0 =	sadd.s32 $0x1, s0  }
0xea: {  	v12 =	vadd.s32 v1, v12;
	p1 =	sne.s32 s1, s0;
	p2 =	slt.s32 s17, $0x3F0;
	(xrf0) =	vadd.scan.msk.s32 $0xffff, v14;
	s16 =	smov.u32 s17  }
0xeb: {  	v12 =	vshll.u32 v12, $0x7;
	s16 =	simm.s32 @!p2 $0x3F0  }
0xec: {  	[tilespmem:s16+$0x11B00] =	vst.msk vm2, v13;
	v13 =	vor.u32 v2, v12  }
0xed: {  	[tilespmem:s16+$0x11F00] =	vst.msk vm2, v13  }
0xee: {  	v13 =	vld [tilespmem:s30+$0xFFFFFFD0];
	_ =	sdelay $0x1  }
0xef: {  	v14, _, _ =	vpop (xrf0)  }
0xf0: {  	(v2sf) =	vpush v14, $0xF;
	_ =	sdelay $0x1  }
0xf1: {  	vm2 =	vge.f32 v13, v11  }
0xf2: {  	v14 =	vsel vm2, $0x1, v3  }
0xf3: {  	(xrf0) =	vadd.scan.msk.s32 $0xffff, v14;
	_ =	sdelay $0x5  }
0xf4: {  	v14, _, _ =	vpop (xrf0)  }
0xf5: {  	(v2sf) =	vpush v14, $0xF;
	_ =	sdelay $0x3  }
0xf6: {  	s16 =	spop (v2sf)  }
0xf7: {  	s16 =	sadd.s32 s17, s16  }
0xf8: {  	p2 =	slt.s32 s16, $0x3F0;
	s17 =	smov.u32 s16  }
0xf9: {  	s17 =	simm.s32 @!p2 $0x3F0  }
0xfa: {  	[tilespmem:s17+$0x11B00] =	vst.msk vm2, v13;
	v13 =	vor.u32 v4, v12  }
0xfb: {  	[tilespmem:s17+$0x11F00] =	vst.msk vm2, v13  }
0xfc: {  	v13 =	vld [tilespmem:s30+$0xFFFFFFE0];
	_ =	sdelay $0x4  }
0xfd: {  	vm2 =	vge.f32 v13, v11;
	s17 =	spop (v2sf)  }
0xfe: {  	s16 =	sadd.s32 s16, s17;
	v14 =	vsel vm2, $0x1, v3  }
0xff: {  	p2 =	slt.s32 s16, $0x3F0;
	(xrf0) =	vadd.scan.msk.s32 $0xffff, v14;
	s17 =	smov.u32 s16  }
0x100: {  	s17 =	simm.s32 @!p2 $0x3F0  }
0x101: {  	[tilespmem:s17+$0x11B00] =	vst.msk vm2, v13;
	v13 =	vor.u32 v5, v12  }
0x102: {  	[tilespmem:s17+$0x11F00] =	vst.msk vm2, v13  }
0x103: {  	v13 =	vld [tilespmem:s30+$0xFFFFFFF0];
	_ =	sdelay $0x1  }
0x104: {  	v14, _, _ =	vpop (xrf0)  }
0x105: {  	(v2sf) =	vpush v14, $0xF;
	_ =	sdelay $0x1  }
0x106: {  	vm2 =	vge.f32 v13, v11  }
0x107: {  	v14 =	vsel vm2, $0x1, v3  }
0x108: {  	(xrf0) =	vadd.scan.msk.s32 $0xffff, v14;
	_ =	sdelay $0x5  }
0x109: {  	v14, _, _ =	vpop (xrf0)  }
0x10a: {  	(v2sf) =	vpush v14, $0xF;
	_ =	sdelay $0x3  }
0x10b: {  	s17 =	spop (v2sf)  }
0x10c: {  	s16 =	sadd.s32 s16, s17  }
0x10d: {  	p2 =	slt.s32 s16, $0x3F0;
	s17 =	smov.u32 s16  }
0x10e: {  	s17 =	simm.s32 @!p2 $0x3F0  }
0x10f: {  	[tilespmem:s17+$0x11B00] =	vst.msk vm2, v13;
	v13 =	vor.u32 v6, v12  }
0x110: {  	[tilespmem:s17+$0x11F00] =	vst.msk vm2, v13  }
0x111: {  	v13 =	vld [tilespmem:s30+$0x0];
	_ =	sdelay $0x4  }
0x112: {  	vm2 =	vge.f32 v13, v11;
	s17 =	spop (v2sf)  }
0x113: {  	s16 =	sadd.s32 s16, s17;
	v14 =	vsel vm2, $0x1, v3  }
0x114: {  	p2 =	slt.s32 s16, $0x3F0;
	(xrf0) =	vadd.scan.msk.s32 $0xffff, v14;
	s17 =	smov.u32 s16  }
0x115: {  	s17 =	simm.s32 @!p2 $0x3F0  }
0x116: {  	[tilespmem:s17+$0x11B00] =	vst.msk vm2, v13;
	v13 =	vor.u32 v7, v12  }
0x117: {  	[tilespmem:s17+$0x11F00] =	vst.msk vm2, v13  }
0x118: {  	v13 =	vld [tilespmem:s30+$0x10];
	_ =	sdelay $0x1  }
0x119: {  	v14, _, _ =	vpop (xrf0)  }
0x11a: {  	(v2sf) =	vpush v14, $0xF;
	_ =	sdelay $0x1  }
0x11b: {  	vm2 =	vge.f32 v13, v11  }
0x11c: {  	v14 =	vsel vm2, $0x1, v3  }
0x11d: {  	(xrf0) =	vadd.scan.msk.s32 $0xffff, v14;
	_ =	sdelay $0x5  }
0x11e: {  	v14, _, _ =	vpop (xrf0)  }
0x11f: {  	(v2sf) =	vpush v14, $0xF;
	_ =	sdelay $0x3  }
0x120: {  	s17 =	spop (v2sf)  }
0x121: {  	s16 =	sadd.s32 s16, s17  }
0x122: {  	p2 =	slt.s32 s16, $0x3F0;
	s17 =	smov.u32 s16  }
0x123: {  	s17 =	simm.s32 @!p2 $0x3F0  }
0x124: {  	[tilespmem:s17+$0x11B00] =	vst.msk vm2, v13;
	v13 =	vor.u32 v8, v12  }
0x125: {  	[tilespmem:s17+$0x11F00] =	vst.msk vm2, v13  }
0x126: {  	v13 =	vld [tilespmem:s30+$0x20];
	_ =	sdelay $0x4  }
0x127: {  	vm2 =	vge.f32 v13, v11;
	s17 =	spop (v2sf)  }
0x128: {  	s16 =	sadd.s32 s16, s17;
	v14 =	vsel vm2, $0x1, v3  }
0x129: {  	p2 =	slt.s32 s16, $0x3F0;
	(xrf0) =	vadd.scan.msk.s32 $0xffff, v14;
	s17 =	smov.u32 s16  }
0x12a: {  	s17 =	simm.s32 @!p2 $0x3F0  }
0x12b: {  	[tilespmem:s17+$0x11B00] =	vst.msk vm2, v13;
	v13 =	vor.u32 v9, v12  }
0x12c: {  	[tilespmem:s17+$0x11F00] =	vst.msk vm2, v13  }
0x12d: {  	v13 =	vld [tilespmem:s30+$0x30];
	_ =	sdelay $0x1  }
0x12e: {  	v14, _, _ =	vpop (xrf0)  }
0x12f: {  	(v2sf) =	vpush v14, $0xF;
	_ =	sdelay $0x1  }
0x130: {  	vm2 =	vge.f32 v13, v11  }
0x131: {  	v14 =	vsel vm2, $0x1, v3  }
0x132: {  	(xrf0) =	vadd.scan.msk.s32 $0xffff, v14;
	_ =	sdelay $0x5  }
0x133: {  	v14, _, _ =	vpop (xrf0)  }
0x134: {  	(v2sf) =	vpush v14, $0xF;
	_ =	sdelay $0x3  }
0x135: {  	s17 =	spop (v2sf)  }
0x136: {  	s16 =	sadd.s32 s16, s17  }
0x137: {  	v14 =	vmov s5;
	p2 =	slt.s32 s16, $0x3F0;
	s5 =	smov.u32 s16  }
0x138: {  	s5 =	simm.s32 @!p2 $0x3F0  }
0x139: {  	v12 =	vor.u32 v10, v12;
	[tilespmem:s5+$0x11B00] =	vst.msk vm2, v13  }
0x13a: {  	s30 =	sadd.s32 $0x80, s30;
	[tilespmem:s5+$0x11F00] =	vst.msk vm2, v12  }
0x13b: {  	v13 =	vld [tilespmem:s30+$0xFFFFFFC0]  }
.Ltmp6:
0x13c: {  	v12 =	vld.idx.msk [tilespmem:v14+s15+$0x0], $0xffff;
	(pc) =	sbr.rel @p1 .LBB2_8-.Ltmp6, $2  }
0x13d: {  	_ =	sdelay $0x2  }
0x13e: {  	vm2 =	vge.f32 v13, v11;
	s5 =	spop (v2sf)  }
.LBB2_9:
0x13f: {  	s0 =	sadd.s32 @p0 s16, s5  }
0x140: {  	s31 =	smov.u32 @p0 s0  }
0x141: {  	v12 =	vadd.s32 v1, v12;
	p0 =	slt.s32 s31, $0x3F0;
	s0 =	smov.u32 s31  }
0x142: {  	v12 =	vshll.u32 v12, $0x7;
	s0 =	simm.s32 @!p0 $0x3F0  }
0x143: {  	v14 =	vsel vm2, $0x1, v3;
	v51 =	vor.u32 v2, v12;
	[tilespmem:s0+$0x11B00] =	vst.msk vm2, v13  }
0x144: {  	(xrf0) =	vadd.scan.msk.s32 $0xffff, v14;
	[tilespmem:s0+$0x11F00] =	vst.msk vm2, v51  }
0x145: {  	v13 =	vld [tilespmem:s30+$0xFFFFFFD0];
	_ =	sdelay $0x4  }
0x146: {  	v14, _, _ =	vpop (xrf0);
	vm2 =	vge.f32 v13, v11  }
0x147: {  	(v2sf) =	vpush v14, $0xF;
	v52 =	vsel vm2, $0x1, v3  }
0x148: {  	(xrf0) =	vadd.scan.msk.s32 $0xffff, v52;
	_ =	sdelay $0x5  }
0x149: {  	v14, _, _ =	vpop (xrf0)  }
0x14a: {  	(v2sf) =	vpush v14, $0xF;
	_ =	sdelay $0x6  }
0x14b: {  	s16 =	spop (v2sf)  }
0x14c: {  	s0 =	sadd.s32 s31, s16  }
0x14d: {  	p0 =	slt.s32 s0, $0x3F0;
	s1 =	smov.u32 s0  }
0x14e: {  	s1 =	simm.s32 @!p0 $0x3F0  }
0x14f: {  	v53 =	vor.u32 v4, v12;
	[tilespmem:s1+$0x11B00] =	vst.msk vm2, v13  }
0x150: {  	[tilespmem:s1+$0x11F00] =	vst.msk vm2, v53  }
0x151: {  	v13 =	vld [tilespmem:s30+$0xFFFFFFE0];
	_ =	sdelay $0x1  }
0x152: {  	s17 =	spop (v2sf)  }
0x153: {  	s0 =	sadd.s32 s0, s17  }
0x154: {  	p0 =	slt.s32 s0, $0x3F0;
	s1 =	smov.u32 s0  }
0x155: {  	vm2 =	vge.f32 v13, v11;
	s1 =	simm.s32 @!p0 $0x3F0  }
0x156: {  	v55 =	vor.u32 v5, v12;
	v54 =	vsel vm2, $0x1, v3;
	[tilespmem:s1+$0x11B00] =	vst.msk vm2, v13  }
0x157: {  	(xrf0) =	vadd.scan.msk.s32 $0xffff, v54;
	[tilespmem:s1+$0x11F00] =	vst.msk vm2, v55  }
0x158: {  	v13 =	vld [tilespmem:s30+$0xFFFFFFF0];
	_ =	sdelay $0x4  }
0x159: {  	v14, _, _ =	vpop (xrf0);
	vm2 =	vge.f32 v13, v11  }
0x15a: {  	(v2sf) =	vpush v14, $0xF;
	v56 =	vsel vm2, $0x1, v3  }
0x15b: {  	(xrf0) =	vadd.scan.msk.s32 $0xffff, v56;
	_ =	sdelay $0x5  }
0x15c: {  	v14, _, _ =	vpop (xrf0)  }
0x15d: {  	(v2sf) =	vpush v14, $0xF;
	_ =	sdelay $0x6  }
0x15e: {  	s31 =	spop (v2sf)  }
0x15f: {  	s0 =	sadd.s32 s0, s31  }
0x160: {  	p0 =	slt.s32 s0, $0x3F0;
	s1 =	smov.u32 s0  }
0x161: {  	s1 =	simm.s32 @!p0 $0x3F0  }
0x162: {  	v57 =	vor.u32 v6, v12;
	[tilespmem:s1+$0x11B00] =	vst.msk vm2, v13  }
0x163: {  	[tilespmem:s1+$0x11F00] =	vst.msk vm2, v57  }
0x164: {  	v13 =	vld [tilespmem:s30+$0x0];
	_ =	sdelay $0x1  }
0x165: {  	s5 =	spop (v2sf)  }
0x166: {  	s0 =	sadd.s32 s0, s5  }
0x167: {  	p0 =	slt.s32 s0, $0x3F0;
	s1 =	smov.u32 s0  }
0x168: {  	vm2 =	vge.f32 v13, v11;
	s1 =	simm.s32 @!p0 $0x3F0  }
0x169: {  	v59 =	vor.u32 v7, v12;
	v58 =	vsel vm2, $0x1, v3;
	[tilespmem:s1+$0x11B00] =	vst.msk vm2, v13  }
0x16a: {  	(xrf0) =	vadd.scan.msk.s32 $0xffff, v58;
	[tilespmem:s1+$0x11F00] =	vst.msk vm2, v59  }
0x16b: {  	v13 =	vld [tilespmem:s30+$0x10];
	_ =	sdelay $0x4  }
0x16c: {  	v14, _, _ =	vpop (xrf0);
	vm2 =	vge.f32 v13, v11  }
0x16d: {  	(v2sf) =	vpush v14, $0xF;
	v60 =	vsel vm2, $0x1, v3  }
0x16e: {  	(xrf0) =	vadd.scan.msk.s32 $0xffff, v60;
	_ =	sdelay $0x5  }
0x16f: {  	v14, _, _ =	vpop (xrf0)  }
0x170: {  	(v2sf) =	vpush v14, $0xF;
	_ =	sdelay $0x6  }
0x171: {  	s16 =	spop (v2sf)  }
0x172: {  	s0 =	sadd.s32 s0, s16  }
0x173: {  	p0 =	slt.s32 s0, $0x3F0;
	s1 =	smov.u32 s0  }
0x174: {  	s1 =	simm.s32 @!p0 $0x3F0  }
0x175: {  	v61 =	vor.u32 v8, v12;
	[tilespmem:s1+$0x11B00] =	vst.msk vm2, v13  }
0x176: {  	[tilespmem:s1+$0x11F00] =	vst.msk vm2, v61  }
0x177: {  	v13 =	vld [tilespmem:s30+$0x20];
	_ =	sdelay $0x1  }
0x178: {  	s17 =	spop (v2sf)  }
0x179: {  	s0 =	sadd.s32 s0, s17  }
0x17a: {  	p0 =	slt.s32 s0, $0x3F0;
	s1 =	smov.u32 s0  }
0x17b: {  	vm2 =	vge.f32 v13, v11;
	s1 =	simm.s32 @!p0 $0x3F0  }
0x17c: {  	v62 =	vor.u32 v9, v12;
	[tilespmem:s1+$0x11B00] =	vst.msk vm2, v13  }
0x17d: {  	[tilespmem:s1+$0x11F00] =	vst.msk vm2, v62  }
0x17e: {  	v13 =	vld [tilespmem:s30+$0x30];
	_ =	sdelay $0x1  }
0x17f: {  	v63 =	vsel vm2, $0x1, v3  }
0x180: {  	(xrf0) =	vadd.scan.msk.s32 $0xffff, v63;
	_ =	sdelay $0x1  }
0x181: {  	vm2 =	vge.f32 v13, v11  }
0x182: {  	v11 =	vsel vm2, $0x1, v3  }
0x183: {  	(xrf0) =	vadd.scan.msk.s32 $0xffff, v11;
	_ =	sdelay $0x1  }
0x184: {  	v11, _, _ =	vpop (xrf0)  }
0x185: {  	(v2sf) =	vpush v11, $0xF;
	_ =	sdelay $0x2  }
0x186: {  	v11, _, _ =	vpop (xrf0)  }
0x187: {  	(v2sf) =	vpush v11, $0xF;
	_ =	sdelay $0xa  }
0x188: {  	s30 =	spop (v2sf)  }
.Ltmp7:
0x189: {  	s0 =	sadd.s32 s0, s30;
	(pc) =	sbr.rel .LBB2_10-.Ltmp7, $4  }
0x18a: {  	p0 =	slt.s32 s0, $0x3F0;
	s1 =	smov.u32 s0  }
0x18b: {  	s1 =	simm.s32 @!p0 $0x3F0  }
0x18c: {  	v11 =	vor.u32 v10, v12;
	[tilespmem:s1+$0x11B00] =	vst.msk vm2, v13;
	s31 =	spop (v2sf)  }
0x18d: {  	[tilespmem:s1+$0x11F00] =	vst.msk vm2, v11;
	s0 =	sadd.s32 s0, s31  }
.LBB2_6:
.Ltmp8:
0x18e: {  	(pc) =	sbr.rel .LBB2_9-.Ltmp8, $2  }
0x18f: {  	_ =	sdelay $0x2  }
0x190: {  	_ = 	snop  }
.LBB2_11:
0x191: {  	_ =	sfence.sel $0x180000  }
0x192: {  	[bflag:$0x0] =	sbarrier.arrive $0xFFFF  }
0x193: {  	_ =	strace $0x90000047  }
0x194: {  	s0 =	stileid.u32;
	[bflag:$0x2] =	sbarrier.arrive $0xFFFF  }
0x195: {  	p0 =	sne.s32 s0, $0x0;
	s0 =	rddreg [dreg:$0x3]  }
0x196: {  	s0 =	sadd.s32 @!p0 $0x100000, s0  }
0x197: {  	[sflag:s0] =	ssyncadd.tile.s32 @!p0 $0x1;
	_ =	shalt  }
.Lfunc_end2:
_tile_overlayer_lowered:
.L_overlay_start_2:
0x198: {  	(tag) =	ssettag $0x2  }
0x199: {  	s0 =	rddreg [dreg:$0x0];
	s2 =	stileid.u32  }
0x19a: {  	s1 =	rddreg [dreg:$0x1];
	p0 =	sne.s32 s2, $0x0  }
0x19b: {  	s3 =	rddreg [dreg:$0x2];
	[bflag:$0x3] =	sbarrier.arrive $0xFFFF;
	s2 =	simm.s32 @!p0 $0x1C02  }
0x19c: {  	[timem:s3], [sflag:s2] =	dma.local @!p0 [hbm:s0], s1  }
0x19d: {  	s0 =	simm.s32 @!p0 $0x2  }
0x19e: {  	_ =	swait.ge @!p0 [sflag:s0], s1  }
0x19f: {  	s1 =	ssub.s32 @!p0 $0x0, s1;
	[sflag:s0] =	ssyncset.done @!p0 $0x0  }
0x1a0: {  	[sflag:s0] =	ssyncadd.s32 @!p0 s1  }
0x1a1: {  	[bflag:$0x3] =	sbarrier.arrive $0xFFFF  }
0x1a2: {  	_ =	shalt  }

</sc_bundles>
